<compile_context>
chip_gen: v7x
topology: tpu7x:2x2x1
jax: 0.10.2.dev20260603
libtpu: 0.0.44.dev20260713+nightly
codegen_flags: <defaults>
</compile_context>

<pallas_src>
import math

import jax
import jax.numpy as jnp
from jax.experimental import pallas as pl
from jax.experimental.pallas import tpu as pltpu
from jax.experimental.pallas import tpu_sc as plsc

B, CIN, H, W = 4, 384, 32, 32
P = H * W
N = B * P
CE = 256
K = 8192
NCHUNK = 256
NUM_CHUNKS = K // NCHUNK

SC_CORES = 2
SC_SUBCORES = 16
NW = SC_CORES * SC_SUBCORES
ROWS_PER_W = N // NW
LANES = 16


def _tc_assign_body(x_ref, wp_ref, bp_ref, e_ref,
                    qidx_ref, zsq_ref, dmin_ref, he2_ref):
    b = pl.program_id(0)

    @pl.when(b == 0)
    def _():
        for c in range(NUM_CHUNKS):
            e = e_ref[c * NCHUNK:(c + 1) * NCHUNK, :]
            he2_ref[c * NCHUNK:(c + 1) * NCHUNK, :] = (
                0.5 * jnp.sum(e * e, axis=1, keepdims=True))

    yt = jax.lax.dot_general(
        wp_ref[...], x_ref[0], (((1,), (0,)), ((), ())),
        preferred_element_type=jnp.float32) + bp_ref[...]
    zsq_ref[...] = jnp.sum(yt * yt).reshape(1, 1, 1)

    best_val = jnp.full((1, P), jnp.inf, jnp.float32)
    best_idx = jnp.zeros((1, P), jnp.float32)
    for c in range(NUM_CHUNKS):
        e = e_ref[c * NCHUNK:(c + 1) * NCHUNK, :]
        s = jax.lax.dot_general(
            e, yt, (((1,), (0,)), ((), ())),
            preferred_element_type=jnp.float32)
        d = he2_ref[c * NCHUNK:(c + 1) * NCHUNK, :] - s
        bmin = jnp.min(d, axis=0, keepdims=True)
        rows = jax.lax.broadcasted_iota(
            jnp.int32, (NCHUNK, P), 0).astype(jnp.float32)
        bidx = jnp.min(jnp.where(d == bmin, rows, jnp.float32(3e38)),
                       axis=0, keepdims=True) + float(c * NCHUNK)
        upd = bmin < best_val
        best_val = jnp.where(upd, bmin, best_val)
        best_idx = jnp.where(upd, bidx, best_idx)
    qidx_ref[...] = best_idx.astype(jnp.int32).reshape(1, 8, 128)
    dmin_ref[...] = jnp.sum(best_val).reshape(1, 1, 1)


def _tc_assign(x3, wp, bpc, embed):
    return pl.pallas_call(
        _tc_assign_body,
        grid=(B,),
        in_specs=[
            pl.BlockSpec((1, CIN, P), lambda b: (b, 0, 0)),
            pl.BlockSpec((CE, CIN), lambda b: (0, 0)),
            pl.BlockSpec((CE, 1), lambda b: (0, 0)),
            pl.BlockSpec((K, CE), lambda b: (0, 0)),
        ],
        out_specs=[
            pl.BlockSpec((1, 8, 128), lambda b: (b, 0, 0)),
            pl.BlockSpec((1, 1, 1), lambda b: (b, 0, 0)),
            pl.BlockSpec((1, 1, 1), lambda b: (b, 0, 0)),
        ],
        out_shape=[
            jax.ShapeDtypeStruct((B, 8, 128), jnp.int32),
            jax.ShapeDtypeStruct((B, 1, 1), jnp.float32),
            jax.ShapeDtypeStruct((B, 1, 1), jnp.float32),
        ],
        scratch_shapes=[pltpu.VMEM((K, 1), jnp.float32)],
        compiler_params=pltpu.CompilerParams(
            dimension_semantics=("arbitrary",)),
    )(x3, wp, bpc, embed)


def _sc_gather_body(embed_hbm, idx_hbm, zq_hbm, phist_hbm,
                    idx_v, rows_v, hist_v, sem, sem_out):
    wid = jax.lax.axis_index("s") * SC_CORES + jax.lax.axis_index("c")
    base = wid * ROWS_PER_W

    pltpu.sync_copy(idx_hbm.at[pl.ds(base, ROWS_PER_W)], idx_v)
    gather_cp = pltpu.async_copy(embed_hbm.at[idx_v], rows_v, sem)

    def zero_body(i, carry):
        hist_v[pl.ds(i * LANES, LANES)] = jnp.zeros((LANES,), jnp.float32)
        return carry

    jax.lax.fori_loop(0, K // LANES, zero_body, 0, unroll=16)

    gather_cp.wait()
    out_cp = pltpu.async_copy(rows_v, zq_hbm.at[pl.ds(base, ROWS_PER_W)],
                              sem_out)

    ones = jnp.ones((LANES,), jnp.float32)
    for k in range(ROWS_PER_W // LANES):
        idx_chunk = idx_v[pl.ds(k * LANES, LANES)]
        plsc.addupdate_scatter(hist_v, [idx_chunk], ones)
    pltpu.sync_copy(hist_v, phist_hbm.at[wid])
    out_cp.wait()


def _sc_gather(embed, qidx):
    mesh = plsc.VectorSubcoreMesh(core_axis_name="c", subcore_axis_name="s")
    return pl.kernel(
        _sc_gather_body,
        mesh=mesh,
        out_type=[
            jax.ShapeDtypeStruct((N, CE), jnp.float32),
            jax.ShapeDtypeStruct((NW, K), jnp.float32),
        ],
        scratch_types=[
            pltpu.VMEM((ROWS_PER_W,), jnp.int32),
            pltpu.VMEM((ROWS_PER_W, CE), jnp.float32),
            pltpu.VMEM((K,), jnp.float32),
            pltpu.SemaphoreType.DMA,
            pltpu.SemaphoreType.DMA,
        ],
        compiler_params=pltpu.CompilerParams(needs_layout_passes=False),
    )(embed, qidx)


def _tc_epilogue_body(zsq_ref, dmin_ref, phist_ref,
                      loss_ref, lp_ref, kld_ref):
    sq_total = 2.0 * jnp.sum(dmin_ref[...]) + jnp.sum(zsq_ref[...])
    loss_ref[...] = (1.25 * (sq_total * (1.0 / float(N * CE)))).reshape(1, 1)
    hist = jnp.sum(phist_ref[...], axis=0, keepdims=True)
    p = hist * (1.0 / float(N))
    lp_ref[...] = (-jnp.sum(p * jnp.log(p + 1e-10))).reshape(1, 1)
    kld_ref[...] = jnp.full((B, 1), math.log(K) * float(P), jnp.float32)


def _tc_epilogue(zsq, dmin, phist):
    return pl.pallas_call(
        _tc_epilogue_body,
        out_shape=[
            jax.ShapeDtypeStruct((1, 1), jnp.float32),
            jax.ShapeDtypeStruct((1, 1), jnp.float32),
            jax.ShapeDtypeStruct((B, 1), jnp.float32),
        ],
    )(zsq, dmin, phist)


def kernel(inputs, Wp, bp, embed):
    x3 = inputs.reshape(B, CIN, P)
    qidx, zsq, dmin = _tc_assign(x3, Wp, bp.reshape(CE, 1), embed)
    zq, phist = _sc_gather(embed, qidx.reshape(N))
    loss, lp, kldiv = _tc_epilogue(zsq, dmin, phist)
    z_q = zq.reshape(B, H, W, CE).transpose(0, 3, 1, 2)
    return (z_q, loss[0, 0], kldiv, lp[0, 0])

# --- scband reference (transcript-rebuilt; emitter-appended) ---
"""Pipeline reference for scband-kmeans-vector-quantizer-58686433133152 (READ-ONLY COPY).

The authoritative reference and input builder live on the scoring server;
editing this copy changes nothing except your own understanding.
"""

import jax, jax.numpy as jnp
import numpy as np
import math

def setup_inputs(seed: int = 0) -> dict:
    key = jax.random.key(seed)
    k1, k2, k3, k4 = jax.random.split(key, 4)
    x = jax.random.normal(k1, (4, 384, 32, 32), dtype=jnp.float32)
    # Conv2d(384, 256, kernel_size=1) == per-pixel linear: weight [256, 384], bias [256]
    Wp = jax.random.normal(k2, (256, 384), dtype=jnp.float32) * (1.0 / np.sqrt(384.0))
    bp = jax.random.normal(k3, (256,), dtype=jnp.float32) * (1.0 / np.sqrt(384.0))
    embed = jax.random.normal(k4, (8192, 256), dtype=jnp.float32)
    return {"inputs": x, "Wp": Wp, "bp": bp, "embed": embed}

def reference(inputs, Wp, bp, embed):
    num_embed, embed_feats = embed.shape
    commitment_cost = 0.25
    # 1x1 Conv2d projection
    y = jnp.einsum('bchw,oc->bohw', inputs, Wp) + bp[None, :, None, None]
    # transpose(1, -1): swap channel and last spatial axis
    z = jnp.swapaxes(y, 1, 3)  # [B, W, H, C_e]
    input_shape = z.shape
    flat = z.reshape(-1, embed_feats)
    d2 = (jnp.sum(flat ** 2, axis=1, keepdims=True)
          + jnp.sum(embed ** 2, axis=1)
          - 2.0 * (flat @ embed.T))
    q_idx = jnp.argmin(d2, axis=1)
    # scatter one-hot assignment matrix r
    r = jnp.zeros((flat.shape[0], num_embed), dtype=flat.dtype)
    r = r.at[jnp.arange(flat.shape[0]), q_idx].set(1.0)
    z_q = (r @ embed).reshape(input_shape)
    vq_loss = jnp.mean((z_q - jax.lax.stop_gradient(z)) ** 2)
    commitment_loss = jnp.mean((jax.lax.stop_gradient(z_q) - z) ** 2)
    loss = vq_loss + commitment_cost * commitment_loss
    # straight-through estimator
    z_q = z + jax.lax.stop_gradient(z_q - z)
    probs = jnp.mean(r, axis=0)
    log_perplexity = -jnp.sum(probs * jnp.log(probs + 1e-10))
    num_spatial_positions = r.shape[0] / z.shape[0]
    kldiv_r = math.log(num_embed) * num_spatial_positions * jnp.ones((z.shape[0], 1), dtype=flat.dtype)
    z_q = jnp.swapaxes(z_q, 1, 3)  # back to [B, C_e, H, W]
    return (z_q, loss, kldiv_r, log_perplexity)

if __name__ == "__main__":
    import jax
    _d = setup_inputs()
    print(jax.jit(kernel)(*tuple(_d.values())))

</pallas_src>

<mosaic_0001>
#map = affine_map<(d0, d1) -> (0, 0)>
#map1 = affine_map<(d0, d1) -> (0)>
module attributes {stable_mosaic.version = 14 : i64} {
  func.func @_sc_gather_body(%arg0: i32, %arg1: i32, %arg2: memref<8192x256xf32, #tpu.memory_space<hbm>>, %arg3: memref<4096xi32, #tpu.memory_space<hbm>>, %arg4: memref<4096x256xf32, #tpu.memory_space<hbm>>, %arg5: memref<32x8192xf32, #tpu.memory_space<hbm>>, %arg6: memref<128xi32, #tpu.memory_space<vmem>>, %arg7: memref<128x256xf32, #tpu.memory_space<vmem>>, %arg8: memref<8192xf32, #tpu.memory_space<vmem>>, %arg9: memref<!tpu.dma_semaphore, #tpu.memory_space<semaphore_mem>>, %arg10: memref<!tpu.dma_semaphore, #tpu.memory_space<semaphore_mem>>) attributes {dimension_semantics = [#tpu.dimension_semantics<core_parallel>, #tpu.dimension_semantics<subcore_parallel>], iteration_bounds = array<i64: 2, 16>, scalar_prefetch = 0 : i64, scratch_operands = 5 : i64, tpu.core_type = #tpu.core_type<sc_vector_subcore>, window_params = [{transform_indices = #map}, {transform_indices = #map1}, {transform_indices = #map}, {transform_indices = #map}]} {
    %mul3A = arith.constant 2 : i32
    %mul3A_0 = arith.muli %arg1, %mul3A : i32
    %add3A = arith.addi %mul3A_0, %arg0 : i32
    %mul3A_1 = arith.constant 128 : i32
    %mul3A_2 = arith.muli %add3A, %mul3A_1 : i32
    "tpu.region"() ({
      %run_scoped3A = tpu.sem_alloc : memref<!tpu.dma_semaphore, #tpu.memory_space<semaphore_mem>>
      %dma_start3A_36 = tpu.memref_slice %arg3[%mul3A_2] : memref<4096xi32, #tpu.memory_space<hbm>> -> memref<128xi32, #tpu.memory_space<hbm>>
      %dma_start3A_37 = tpu.memref_slice %arg3[%mul3A_2] : memref<4096xi32, #tpu.memory_space<hbm>> -> memref<128xi32, #tpu.memory_space<hbm>>
      tpu.enqueue_dma source(%dma_start3A_37 : memref<128xi32, #tpu.memory_space<hbm>>) target(%arg6 : memref<128xi32, #tpu.memory_space<vmem>>) target_semaphore(%run_scoped3A : memref<!tpu.dma_semaphore, #tpu.memory_space<semaphore_mem>>)
      %dma_wait3A_38 = tpu.memref_slice %arg3[%mul3A_2] : memref<4096xi32, #tpu.memory_space<hbm>> -> memref<128xi32, #tpu.memory_space<hbm>>
      %dma_wait3A_39 = tpu.memref_slice %arg3[%mul3A_2] : memref<4096xi32, #tpu.memory_space<hbm>> -> memref<128xi32, #tpu.memory_space<hbm>>
      tpu.wait_dma2 semaphore(%run_scoped3A : memref<!tpu.dma_semaphore, #tpu.memory_space<semaphore_mem>>) src(%dma_wait3A_39 : memref<128xi32, #tpu.memory_space<hbm>>) dst(%arg6 : memref<128xi32, #tpu.memory_space<vmem>>)
      tpu.yield
    }) : () -> ()
    %dma_start3A = arith.constant 0 : i32
    %dma_start3A_3 = arith.constant 0 : i32
    %dma_start3A_4 = tpu.memref_slice %arg2[%dma_start3A, %dma_start3A_3] : memref<8192x256xf32, #tpu.memory_space<hbm>> -> memref<8192x256xf32, #tpu.memory_space<hbm>>
    tpu.enqueue_indirect_dma source(%dma_start3A_4 : memref<8192x256xf32, #tpu.memory_space<hbm>>) target(%arg7 : memref<128x256xf32, #tpu.memory_space<vmem>>) offsets(%arg6 : memref<128xi32, #tpu.memory_space<vmem>>) semaphore(%arg9 : memref<!tpu.dma_semaphore, #tpu.memory_space<semaphore_mem>>)
    %scan3A = arith.constant 0 : i32
    %scan3A_5 = arith.constant 0 : i32
    %scan3A_6 = arith.constant 512 : i32
    %scan3A_7 = arith.addi %scan3A_5, %scan3A_6 : i32
    %scan3A_8 = arith.constant 16 : i32
    scf.for %scan3A_36 = %scan3A_5 to %scan3A_7 step %scan3A_8  : i32 {
      %broadcast_in_dim3A_37 = arith.constant 0.000000e+00 : f32
      %broadcast_in_dim3A_38 = vector.broadcast %broadcast_in_dim3A_37 : f32 to vector<16xf32>
      %mul3A_39 = arith.constant 16 : i32
      %mul3A_40 = arith.muli %scan3A_36, %mul3A_39 : i32
      %swap3A = arith.index_cast %mul3A_40 : i32 to index
      %swap3A_41 = tpu.vector_load %arg8[%swap3A] {strides = array<i32>} : memref<8192xf32, #tpu.memory_space<vmem>>, vector<16xf32>,
      tpu.vector_store %arg8[%swap3A], %broadcast_in_dim3A_38 {strides = array<i32>} : memref<8192xf32, #tpu.memory_space<vmem>>, vector<16xf32>,
      %scan3A_42 = arith.constant 1 : i32
      %scan3A_43 = arith.addi %scan3A_36, %scan3A_42 : i32
      %broadcast_in_dim3A_44 = arith.constant 0.000000e+00 : f32
      %broadcast_in_dim3A_45 = vector.broadcast %broadcast_in_dim3A_44 : f32 to vector<16xf32>
      %mul3A_46 = arith.constant 16 : i32
      %mul3A_47 = arith.muli %scan3A_43, %mul3A_46 : i32
      %swap3A_48 = arith.index_cast %mul3A_47 : i32 to index
      %swap3A_49 = tpu.vector_load %arg8[%swap3A_48] {strides = array<i32>} : memref<8192xf32, #tpu.memory_space<vmem>>, vector<16xf32>,
      tpu.vector_store %arg8[%swap3A_48], %broadcast_in_dim3A_45 {strides = array<i32>} : memref<8192xf32, #tpu.memory_space<vmem>>, vector<16xf32>,
      %scan3A_50 = arith.constant 2 : i32
      %scan3A_51 = arith.addi %scan3A_36, %scan3A_50 : i32
      %broadcast_in_dim3A_52 = arith.constant 0.000000e+00 : f32
      %broadcast_in_dim3A_53 = vector.broadcast %broadcast_in_dim3A_52 : f32 to vector<16xf32>
      %mul3A_54 = arith.constant 16 : i32
      %mul3A_55 = arith.muli %scan3A_51, %mul3A_54 : i32
      %swap3A_56 = arith.index_cast %mul3A_55 : i32 to index
      %swap3A_57 = tpu.vector_load %arg8[%swap3A_56] {strides = array<i32>} : memref<8192xf32, #tpu.memory_space<vmem>>, vector<16xf32>,
      tpu.vector_store %arg8[%swap3A_56], %broadcast_in_dim3A_53 {strides = array<i32>} : memref<8192xf32, #tpu.memory_space<vmem>>, vector<16xf32>,
      %scan3A_58 = arith.constant 3 : i32
      %scan3A_59 = arith.addi %scan3A_36, %scan3A_58 : i32
      %broadcast_in_dim3A_60 = arith.constant 0.000000e+00 : f32
      %broadcast_in_dim3A_61 = vector.broadcast %broadcast_in_dim3A_60 : f32 to vector<16xf32>
      %mul3A_62 = arith.constant 16 : i32
      %mul3A_63 = arith.muli %scan3A_59, %mul3A_62 : i32
      %swap3A_64 = arith.index_cast %mul3A_63 : i32 to index
      %swap3A_65 = tpu.vector_load %arg8[%swap3A_64] {strides = array<i32>} : memref<8192xf32, #tpu.memory_space<vmem>>, vector<16xf32>,
      tpu.vector_store %arg8[%swap3A_64], %broadcast_in_dim3A_61 {strides = array<i32>} : memref<8192xf32, #tpu.memory_space<vmem>>, vector<16xf32>,
      %scan3A_66 = arith.constant 4 : i32
      %scan3A_67 = arith.addi %scan3A_36, %scan3A_66 : i32
      %broadcast_in_dim3A_68 = arith.constant 0.000000e+00 : f32
      %broadcast_in_dim3A_69 = vector.broadcast %broadcast_in_dim3A_68 : f32 to vector<16xf32>
      %mul3A_70 = arith.constant 16 : i32
      %mul3A_71 = arith.muli %scan3A_67, %mul3A_70 : i32
      %swap3A_72 = arith.index_cast %mul3A_71 : i32 to index
      %swap3A_73 = tpu.vector_load %arg8[%swap3A_72] {strides = array<i32>} : memref<8192xf32, #tpu.memory_space<vmem>>, vector<16xf32>,
      tpu.vector_store %arg8[%swap3A_72], %broadcast_in_dim3A_69 {strides = array<i32>} : memref<8192xf32, #tpu.memory_space<vmem>>, vector<16xf32>,
      %scan3A_74 = arith.constant 5 : i32
      %scan3A_75 = arith.addi %scan3A_36, %scan3A_74 : i32
      %broadcast_in_dim3A_76 = arith.constant 0.000000e+00 : f32
      %broadcast_in_dim3A_77 = vector.broadcast %broadcast_in_dim3A_76 : f32 to vector<16xf32>
      %mul3A_78 = arith.constant 16 : i32
      %mul3A_79 = arith.muli %scan3A_75, %mul3A_78 : i32
      %swap3A_80 = arith.index_cast %mul3A_79 : i32 to index
      %swap3A_81 = tpu.vector_load %arg8[%swap3A_80] {strides = array<i32>} : memref<8192xf32, #tpu.memory_space<vmem>>, vector<16xf32>,
      tpu.vector_store %arg8[%swap3A_80], %broadcast_in_dim3A_77 {strides = array<i32>} : memref<8192xf32, #tpu.memory_space<vmem>>, vector<16xf32>,
      %scan3A_82 = arith.constant 6 : i32
      %scan3A_83 = arith.addi %scan3A_36, %scan3A_82 : i32
      %broadcast_in_dim3A_84 = arith.constant 0.000000e+00 : f32
      %broadcast_in_dim3A_85 = vector.broadcast %broadcast_in_dim3A_84 : f32 to vector<16xf32>
      %mul3A_86 = arith.constant 16 : i32
      %mul3A_87 = arith.muli %scan3A_83, %mul3A_86 : i32
      %swap3A_88 = arith.index_cast %mul3A_87 : i32 to index
      %swap3A_89 = tpu.vector_load %arg8[%swap3A_88] {strides = array<i32>} : memref<8192xf32, #tpu.memory_space<vmem>>, vector<16xf32>,
      tpu.vector_store %arg8[%swap3A_88], %broadcast_in_dim3A_85 {strides = array<i32>} : memref<8192xf32, #tpu.memory_space<vmem>>, vector<16xf32>,
      %scan3A_90 = arith.constant 7 : i32
      %scan3A_91 = arith.addi %scan3A_36, %scan3A_90 : i32
      %broadcast_in_dim3A_92 = arith.constant 0.000000e+00 : f32
      %broadcast_in_dim3A_93 = vector.broadcast %broadcast_in_dim3A_92 : f32 to vector<16xf32>
      %mul3A_94 = arith.constant 16 : i32
      %mul3A_95 = arith.muli %scan3A_91, %mul3A_94 : i32
      %swap3A_96 = arith.index_cast %mul3A_95 : i32 to index
      %swap3A_97 = tpu.vector_load %arg8[%swap3A_96] {strides = array<i32>} : memref<8192xf32, #tpu.memory_space<vmem>>, vector<16xf32>,
      tpu.vector_store %arg8[%swap3A_96], %broadcast_in_dim3A_93 {strides = array<i32>} : memref<8192xf32, #tpu.memory_space<vmem>>, vector<16xf32>,
      %scan3A_98 = arith.constant 8 : i32
      %scan3A_99 = arith.addi %scan3A_36, %scan3A_98 : i32
      %broadcast_in_dim3A_100 = arith.constant 0.000000e+00 : f32
      %broadcast_in_dim3A_101 = vector.broadcast %broadcast_in_dim3A_100 : f32 to vector<16xf32>
      %mul3A_102 = arith.constant 16 : i32
      %mul3A_103 = arith.muli %scan3A_99, %mul3A_102 : i32
      %swap3A_104 = arith.index_cast %mul3A_103 : i32 to index
      %swap3A_105 = tpu.vector_load %arg8[%swap3A_104] {strides = array<i32>} : memref<8192xf32, #tpu.memory_space<vmem>>, vector<16xf32>,
      tpu.vector_store %arg8[%swap3A_104], %broadcast_in_dim3A_101 {strides = array<i32>} : memref<8192xf32, #tpu.memory_space<vmem>>, vector<16xf32>,
      %scan3A_106 = arith.constant 9 : i32
      %scan3A_107 = arith.addi %scan3A_36, %scan3A_106 : i32
      %broadcast_in_dim3A_108 = arith.constant 0.000000e+00 : f32
      %broadcast_in_dim3A_109 = vector.broadcast %broadcast_in_dim3A_108 : f32 to vector<16xf32>
      %mul3A_110 = arith.constant 16 : i32
      %mul3A_111 = arith.muli %scan3A_107, %mul3A_110 : i32
      %swap3A_112 = arith.index_cast %mul3A_111 : i32 to index
      %swap3A_113 = tpu.vector_load %arg8[%swap3A_112] {strides = array<i32>} : memref<8192xf32, #tpu.memory_space<vmem>>, vector<16xf32>,
      tpu.vector_store %arg8[%swap3A_112], %broadcast_in_dim3A_109 {strides = array<i32>} : memref<8192xf32, #tpu.memory_space<vmem>>, vector<16xf32>,
      %scan3A_114 = arith.constant 10 : i32
      %scan3A_115 = arith.addi %scan3A_36, %scan3A_114 : i32
      %broadcast_in_dim3A_116 = arith.constant 0.000000e+00 : f32
      %broadcast_in_dim3A_117 = vector.broadcast %broadcast_in_dim3A_116 : f32 to vector<16xf32>
      %mul3A_118 = arith.constant 16 : i32
      %mul3A_119 = arith.muli %scan3A_115, %mul3A_118 : i32
      %swap3A_120 = arith.index_cast %mul3A_119 : i32 to index
      %swap3A_121 = tpu.vector_load %arg8[%swap3A_120] {strides = array<i32>} : memref<8192xf32, #tpu.memory_space<vmem>>, vector<16xf32>,
      tpu.vector_store %arg8[%swap3A_120], %broadcast_in_dim3A_117 {strides = array<i32>} : memref<8192xf32, #tpu.memory_space<vmem>>, vector<16xf32>,
      %scan3A_122 = arith.constant 11 : i32
      %scan3A_123 = arith.addi %scan3A_36, %scan3A_122 : i32
      %broadcast_in_dim3A_124 = arith.constant 0.000000e+00 : f32
      %broadcast_in_dim3A_125 = vector.broadcast %broadcast_in_dim3A_124 : f32 to vector<16xf32>
      %mul3A_126 = arith.constant 16 : i32
      %mul3A_127 = arith.muli %scan3A_123, %mul3A_126 : i32
      %swap3A_128 = arith.index_cast %mul3A_127 : i32 to index
      %swap3A_129 = tpu.vector_load %arg8[%swap3A_128] {strides = array<i32>} : memref<8192xf32, #tpu.memory_space<vmem>>, vector<16xf32>,
      tpu.vector_store %arg8[%swap3A_128], %broadcast_in_dim3A_125 {strides = array<i32>} : memref<8192xf32, #tpu.memory_space<vmem>>, vector<16xf32>,
      %scan3A_130 = arith.constant 12 : i32
      %scan3A_131 = arith.addi %scan3A_36, %scan3A_130 : i32
      %broadcast_in_dim3A_132 = arith.constant 0.000000e+00 : f32
      %broadcast_in_dim3A_133 = vector.broadcast %broadcast_in_dim3A_132 : f32 to vector<16xf32>
      %mul3A_134 = arith.constant 16 : i32
      %mul3A_135 = arith.muli %scan3A_131, %mul3A_134 : i32
      %swap3A_136 = arith.index_cast %mul3A_135 : i32 to index
      %swap3A_137 = tpu.vector_load %arg8[%swap3A_136] {strides = array<i32>} : memref<8192xf32, #tpu.memory_space<vmem>>, vector<16xf32>,
      tpu.vector_store %arg8[%swap3A_136], %broadcast_in_dim3A_133 {strides = array<i32>} : memref<8192xf32, #tpu.memory_space<vmem>>, vector<16xf32>,
      %scan3A_138 = arith.constant 13 : i32
      %scan3A_139 = arith.addi %scan3A_36, %scan3A_138 : i32
      %broadcast_in_dim3A_140 = arith.constant 0.000000e+00 : f32
      %broadcast_in_dim3A_141 = vector.broadcast %broadcast_in_dim3A_140 : f32 to vector<16xf32>
      %mul3A_142 = arith.constant 16 : i32
      %mul3A_143 = arith.muli %scan3A_139, %mul3A_142 : i32
      %swap3A_144 = arith.index_cast %mul3A_143 : i32 to index
      %swap3A_145 = tpu.vector_load %arg8[%swap3A_144] {strides = array<i32>} : memref<8192xf32, #tpu.memory_space<vmem>>, vector<16xf32>,
      tpu.vector_store %arg8[%swap3A_144], %broadcast_in_dim3A_141 {strides = array<i32>} : memref<8192xf32, #tpu.memory_space<vmem>>, vector<16xf32>,
      %scan3A_146 = arith.constant 14 : i32
      %scan3A_147 = arith.addi %scan3A_36, %scan3A_146 : i32
      %broadcast_in_dim3A_148 = arith.constant 0.000000e+00 : f32
      %broadcast_in_dim3A_149 = vector.broadcast %broadcast_in_dim3A_148 : f32 to vector<16xf32>
      %mul3A_150 = arith.constant 16 : i32
      %mul3A_151 = arith.muli %scan3A_147, %mul3A_150 : i32
      %swap3A_152 = arith.index_cast %mul3A_151 : i32 to index
      %swap3A_153 = tpu.vector_load %arg8[%swap3A_152] {strides = array<i32>} : memref<8192xf32, #tpu.memory_space<vmem>>, vector<16xf32>,
      tpu.vector_store %arg8[%swap3A_152], %broadcast_in_dim3A_149 {strides = array<i32>} : memref<8192xf32, #tpu.memory_space<vmem>>, vector<16xf32>,
      %scan3A_154 = arith.constant 15 : i32
      %scan3A_155 = arith.addi %scan3A_36, %scan3A_154 : i32
      %broadcast_in_dim3A_156 = arith.constant 0.000000e+00 : f32
      %broadcast_in_dim3A_157 = vector.broadcast %broadcast_in_dim3A_156 : f32 to vector<16xf32>
      %mul3A_158 = arith.constant 16 : i32
      %mul3A_159 = arith.muli %scan3A_155, %mul3A_158 : i32
      %swap3A_160 = arith.index_cast %mul3A_159 : i32 to index
      %swap3A_161 = tpu.vector_load %arg8[%swap3A_160] {strides = array<i32>} : memref<8192xf32, #tpu.memory_space<vmem>>, vector<16xf32>,
      tpu.vector_store %arg8[%swap3A_160], %broadcast_in_dim3A_157 {strides = array<i32>} : memref<8192xf32, #tpu.memory_space<vmem>>, vector<16xf32>,
    }
    %scan3A_9 = arith.constant 512 : i32
    %dma_wait3A = arith.constant 0 : i32
    %dma_wait3A_10 = arith.constant 0 : i32
    %dma_wait3A_11 = tpu.memref_slice %arg2[%dma_wait3A, %dma_wait3A_10] : memref<8192x256xf32, #tpu.memory_space<hbm>> -> memref<8192x256xf32, #tpu.memory_space<hbm>>
    tpu.wait_indirect_dma semaphore(%arg9 : memref<!tpu.dma_semaphore, #tpu.memory_space<semaphore_mem>>) src(%dma_wait3A_11 : memref<8192x256xf32, #tpu.memory_space<hbm>>) dst(%arg7 : memref<128x256xf32, #tpu.memory_space<vmem>>)
    %dma_start3A_12 = arith.constant 0 : i32
    %dma_start3A_13 = tpu.memref_slice %arg4[%mul3A_2, %dma_start3A_12] : memref<4096x256xf32, #tpu.memory_space<hbm>> -> memref<128x256xf32, #tpu.memory_space<hbm>>
    %dma_start3A_14 = arith.constant 0 : i32
    %dma_start3A_15 = tpu.memref_slice %arg4[%mul3A_2, %dma_start3A_14] : memref<4096x256xf32, #tpu.memory_space<hbm>> -> memref<128x256xf32, #tpu.memory_space<hbm>>
    tpu.enqueue_dma source(%arg7 : memref<128x256xf32, #tpu.memory_space<vmem>>) target(%dma_start3A_15 : memref<128x256xf32, #tpu.memory_space<hbm>>) target_semaphore(%arg10 : memref<!tpu.dma_semaphore, #tpu.memory_space<semaphore_mem>>)
    %broadcast_in_dim3A = arith.constant 1.000000e+00 : f32
    %broadcast_in_dim3A_16 = vector.broadcast %broadcast_in_dim3A : f32 to vector<16xf32>
    %get3A = arith.constant 0 : index
    %get3A_17 = tpu.vector_load %arg6[%get3A] {strides = array<i32>} : memref<128xi32, #tpu.memory_space<vmem>>, vector<16xi32>,
    tpu.vector_store_idx %arg8[%get3A_17], %broadcast_in_dim3A_16 {add = true} : memref<8192xf32, #tpu.memory_space<vmem>>[vector<16xi32>], vector<16xf32>,
    %get3A_18 = arith.constant 16 : index
    %get3A_19 = tpu.vector_load %arg6[%get3A_18] {strides = array<i32>} : memref<128xi32, #tpu.memory_space<vmem>>, vector<16xi32>,
    tpu.vector_store_idx %arg8[%get3A_19], %broadcast_in_dim3A_16 {add = true} : memref<8192xf32, #tpu.memory_space<vmem>>[vector<16xi32>], vector<16xf32>,
    %get3A_20 = arith.constant 32 : index
    %get3A_21 = tpu.vector_load %arg6[%get3A_20] {strides = array<i32>} : memref<128xi32, #tpu.memory_space<vmem>>, vector<16xi32>,
    tpu.vector_store_idx %arg8[%get3A_21], %broadcast_in_dim3A_16 {add = true} : memref<8192xf32, #tpu.memory_space<vmem>>[vector<16xi32>], vector<16xf32>,
    %get3A_22 = arith.constant 48 : index
    %get3A_23 = tpu.vector_load %arg6[%get3A_22] {strides = array<i32>} : memref<128xi32, #tpu.memory_space<vmem>>, vector<16xi32>,
    tpu.vector_store_idx %arg8[%get3A_23], %broadcast_in_dim3A_16 {add = true} : memref<8192xf32, #tpu.memory_space<vmem>>[vector<16xi32>], vector<16xf32>,
    %get3A_24 = arith.constant 64 : index
    %get3A_25 = tpu.vector_load %arg6[%get3A_24] {strides = array<i32>} : memref<128xi32, #tpu.memory_space<vmem>>, vector<16xi32>,
    tpu.vector_store_idx %arg8[%get3A_25], %broadcast_in_dim3A_16 {add = true} : memref<8192xf32, #tpu.memory_space<vmem>>[vector<16xi32>], vector<16xf32>,
    %get3A_26 = arith.constant 80 : index
    %get3A_27 = tpu.vector_load %arg6[%get3A_26] {strides = array<i32>} : memref<128xi32, #tpu.memory_space<vmem>>, vector<16xi32>,
    tpu.vector_store_idx %arg8[%get3A_27], %broadcast_in_dim3A_16 {add = true} : memref<8192xf32, #tpu.memory_space<vmem>>[vector<16xi32>], vector<16xf32>,
    %get3A_28 = arith.constant 96 : index
    %get3A_29 = tpu.vector_load %arg6[%get3A_28] {strides = array<i32>} : memref<128xi32, #tpu.memory_space<vmem>>, vector<16xi32>,
    tpu.vector_store_idx %arg8[%get3A_29], %broadcast_in_dim3A_16 {add = true} : memref<8192xf32, #tpu.memory_space<vmem>>[vector<16xi32>], vector<16xf32>,
    %get3A_30 = arith.constant 112 : index
    %get3A_31 = tpu.vector_load %arg6[%get3A_30] {strides = array<i32>} : memref<128xi32, #tpu.memory_space<vmem>>, vector<16xi32>,
    tpu.vector_store_idx %arg8[%get3A_31], %broadcast_in_dim3A_16 {add = true} : memref<8192xf32, #tpu.memory_space<vmem>>[vector<16xi32>], vector<16xf32>,
    "tpu.region"() ({
      %run_scoped3A = tpu.sem_alloc : memref<!tpu.dma_semaphore, #tpu.memory_space<semaphore_mem>>
      %dma_start3A_36 = arith.constant 0 : i32
      %dma_start3A_37 = tpu.memref_slice %arg5[%add3A, %dma_start3A_36] : memref<32x8192xf32, #tpu.memory_space<hbm>> -> memref<1x8192xf32, #tpu.memory_space<hbm>>
      %dma_start3A_38 = tpu.memref_squeeze %dma_start3A_37 : memref<1x8192xf32, #tpu.memory_space<hbm>> -> memref<8192xf32, #tpu.memory_space<hbm>>
      %dma_start3A_39 = arith.constant 0 : i32
      %dma_start3A_40 = tpu.memref_slice %arg5[%add3A, %dma_start3A_39] : memref<32x8192xf32, #tpu.memory_space<hbm>> -> memref<1x8192xf32, #tpu.memory_space<hbm>>
      %dma_start3A_41 = tpu.memref_squeeze %dma_start3A_40 : memref<1x8192xf32, #tpu.memory_space<hbm>> -> memref<8192xf32, #tpu.memory_space<hbm>>
      tpu.enqueue_dma source(%arg8 : memref<8192xf32, #tpu.memory_space<vmem>>) target(%dma_start3A_41 : memref<8192xf32, #tpu.memory_space<hbm>>) target_semaphore(%run_scoped3A : memref<!tpu.dma_semaphore, #tpu.memory_space<semaphore_mem>>)
      %dma_wait3A_42 = arith.constant 0 : i32
      %dma_wait3A_43 = tpu.memref_slice %arg5[%add3A, %dma_wait3A_42] : memref<32x8192xf32, #tpu.memory_space<hbm>> -> memref<1x8192xf32, #tpu.memory_space<hbm>>
      %dma_wait3A_44 = tpu.memref_squeeze %dma_wait3A_43 : memref<1x8192xf32, #tpu.memory_space<hbm>> -> memref<8192xf32, #tpu.memory_space<hbm>>
      %dma_wait3A_45 = arith.constant 0 : i32
      %dma_wait3A_46 = tpu.memref_slice %arg5[%add3A, %dma_wait3A_45] : memref<32x8192xf32, #tpu.memory_space<hbm>> -> memref<1x8192xf32, #tpu.memory_space<hbm>>
      %dma_wait3A_47 = tpu.memref_squeeze %dma_wait3A_46 : memref<1x8192xf32, #tpu.memory_space<hbm>> -> memref<8192xf32, #tpu.memory_space<hbm>>
      tpu.wait_dma2 semaphore(%run_scoped3A : memref<!tpu.dma_semaphore, #tpu.memory_space<semaphore_mem>>) src(%arg8 : memref<8192xf32, #tpu.memory_space<vmem>>) dst(%dma_wait3A_47 : memref<8192xf32, #tpu.memory_space<hbm>>)
      tpu.yield
    }) : () -> ()
    %dma_wait3A_32 = arith.constant 0 : i32
    %dma_wait3A_33 = tpu.memref_slice %arg4[%mul3A_2, %dma_wait3A_32] : memref<4096x256xf32, #tpu.memory_space<hbm>> -> memref<128x256xf32, #tpu.memory_space<hbm>>
    %dma_wait3A_34 = arith.constant 0 : i32
    %dma_wait3A_35 = tpu.memref_slice %arg4[%mul3A_2, %dma_wait3A_34] : memref<4096x256xf32, #tpu.memory_space<hbm>> -> memref<128x256xf32, #tpu.memory_space<hbm>>
    tpu.wait_dma2 semaphore(%arg10 : memref<!tpu.dma_semaphore, #tpu.memory_space<semaphore_mem>>) src(%arg7 : memref<128x256xf32, #tpu.memory_space<vmem>>) dst(%dma_wait3A_35 : memref<128x256xf32, #tpu.memory_space<hbm>>)
    return
  }
}

module attributes {stable_mosaic.version = 14 : i64} {
  func.func @_tc_assign_body(%arg0: i32, %arg1: memref<1x384x1024xf32, #tpu.memory_space<vmem>>, %arg2: memref<256x384xf32, #tpu.memory_space<vmem>>, %arg3: memref<256x1xf32, #tpu.memory_space<vmem>>, %arg4: memref<8192x256xf32, #tpu.memory_space<vmem>>, %arg5: memref<1x8x128xi32, #tpu.memory_space<vmem>>, %arg6: memref<1x1x1xf32, #tpu.memory_space<vmem>>, %arg7: memref<1x1x1xf32, #tpu.memory_space<vmem>>, %arg8: memref<8192x1xf32, #tpu.memory_space<vmem>>) attributes {dimension_semantics = [#tpu.dimension_semantics<arbitrary>], iteration_bounds = array<i64: 4>, scalar_prefetch = 0 : i64, scratch_operands = 1 : i64, tpu.core_type = #tpu.core_type<tc>, window_params = [{transform_indices = @transform_0, window_bounds = array<i64: 1, 384, 1024>}, {pipeline_mode = #tpu.pipeline_mode<synchronous>, transform_indices = @transform_1, window_bounds = array<i64: 256, 384>}, {pipeline_mode = #tpu.pipeline_mode<synchronous>, transform_indices = @transform_2, window_bounds = array<i64: 256, 1>}, {pipeline_mode = #tpu.pipeline_mode<synchronous>, transform_indices = @transform_3, window_bounds = array<i64: 8192, 256>}, {transform_indices = @transform_4, window_bounds = array<i64: 1, 8, 128>}, {transform_indices = @transform_5, window_bounds = array<i64: 1, 1, 1>}, {transform_indices = @transform_6, window_bounds = array<i64: 1, 1, 1>}]} {
    %eq3A = arith.constant 0 : i32
    %eq3A_0 = arith.cmpi eq, %arg0, %eq3A : i32
    %convert_element_type3A = arith.extui %eq3A_0 : i1 to i32
    %cond3A = arith.constant 0 : i32
    %cond3A_1 = arith.cmpi ne, %convert_element_type3A, %cond3A : i32
    scf.if %cond3A_1 {
      %get3A_962 = arith.constant 0 : index
      %get3A_963 = arith.constant 0 : index
      %get3A_964 = vector.load %arg4[%get3A_962, %get3A_963] : memref<8192x256xf32, #tpu.memory_space<vmem>>, vector<256x256xf32>
      %mul3A_965 = arith.mulf %get3A_964, %get3A_964 : vector<256x256xf32>
      %reduce_sum3A_966 = arith.constant dense<0.000000e+00> : vector<256xf32>
      %reduce_sum3A_967 = vector.multi_reduction <add>, %mul3A_965, %reduce_sum3A_966 [1] : vector<256x256xf32> to vector<256xf32>
      %broadcast_in_dim3A_968 = vector.shape_cast %reduce_sum3A_967 : vector<256xf32> to vector<256x1xf32>
      %mul3A_969 = arith.constant 5.000000e-01 : f32
      %mul3A_970 = vector.broadcast %mul3A_969 : f32 to vector<256x1xf32>
      %mul3A_971 = arith.mulf %mul3A_970, %broadcast_in_dim3A_968 : vector<256x1xf32>
      %swap3A_972 = arith.constant 0 : index
      %swap3A_973 = arith.constant 0 : index
      %swap3A_974 = vector.load %arg8[%swap3A_972, %swap3A_973] : memref<8192x1xf32, #tpu.memory_space<vmem>>, vector<256x1xf32>
      tpu.vector_store %arg8[%swap3A_972, %swap3A_973], %mul3A_971 {strides = array<i32>} : memref<8192x1xf32, #tpu.memory_space<vmem>>, vector<256x1xf32>,
      %get3A_975 = arith.constant 256 : index
      %get3A_976 = arith.constant 0 : index
      %get3A_977 = vector.load %arg4[%get3A_975, %get3A_976] : memref<8192x256xf32, #tpu.memory_space<vmem>>, vector<256x256xf32>
      %mul3A_978 = arith.mulf %get3A_977, %get3A_977 : vector<256x256xf32>
      %reduce_sum3A_979 = arith.constant dense<0.000000e+00> : vector<256xf32>
      %reduce_sum3A_980 = vector.multi_reduction <add>, %mul3A_978, %reduce_sum3A_979 [1] : vector<256x256xf32> to vector<256xf32>
      %broadcast_in_dim3A_981 = vector.shape_cast %reduce_sum3A_980 : vector<256xf32> to vector<256x1xf32>
      %mul3A_982 = arith.constant 5.000000e-01 : f32
      %mul3A_983 = vector.broadcast %mul3A_982 : f32 to vector<256x1xf32>
      %mul3A_984 = arith.mulf %mul3A_983, %broadcast_in_dim3A_981 : vector<256x1xf32>
      %swap3A_985 = arith.constant 256 : index
      %swap3A_986 = arith.constant 0 : index
      %swap3A_987 = vector.load %arg8[%swap3A_985, %swap3A_986] : memref<8192x1xf32, #tpu.memory_space<vmem>>, vector<256x1xf32>
      tpu.vector_store %arg8[%swap3A_985, %swap3A_986], %mul3A_984 {strides = array<i32>} : memref<8192x1xf32, #tpu.memory_space<vmem>>, vector<256x1xf32>,
      %get3A_988 = arith.constant 512 : index
      %get3A_989 = arith.constant 0 : index
      %get3A_990 = vector.load %arg4[%get3A_988, %get3A_989] : memref<8192x256xf32, #tpu.memory_space<vmem>>, vector<256x256xf32>
      %mul3A_991 = arith.mulf %get3A_990, %get3A_990 : vector<256x256xf32>
      %reduce_sum3A_992 = arith.constant dense<0.000000e+00> : vector<256xf32>
      %reduce_sum3A_993 = vector.multi_reduction <add>, %mul3A_991, %reduce_sum3A_992 [1] : vector<256x256xf32> to vector<256xf32>
      %broadcast_in_dim3A_994 = vector.shape_cast %reduce_sum3A_993 : vector<256xf32> to vector<256x1xf32>
      %mul3A_995 = arith.constant 5.000000e-01 : f32
      %mul3A_996 = vector.broadcast %mul3A_995 : f32 to vector<256x1xf32>
      %mul3A_997 = arith.mulf %mul3A_996, %broadcast_in_dim3A_994 : vector<256x1xf32>
      %swap3A_998 = arith.constant 512 : index
      %swap3A_999 = arith.constant 0 : index
      %swap3A_1000 = vector.load %arg8[%swap3A_998, %swap3A_999] : memref<8192x1xf32, #tpu.memory_space<vmem>>, vector<256x1xf32>
      tpu.vector_store %arg8[%swap3A_998, %swap3A_999], %mul3A_997 {strides = array<i32>} : memref<8192x1xf32, #tpu.memory_space<vmem>>, vector<256x1xf32>,
      %get3A_1001 = arith.constant 768 : index
      %get3A_1002 = arith.constant 0 : index
      %get3A_1003 = vector.load %arg4[%get3A_1001, %get3A_1002] : memref<8192x256xf32, #tpu.memory_space<vmem>>, vector<256x256xf32>
      %mul3A_1004 = arith.mulf %get3A_1003, %get3A_1003 : vector<256x256xf32>
      %reduce_sum3A_1005 = arith.constant dense<0.000000e+00> : vector<256xf32>
      %reduce_sum3A_1006 = vector.multi_reduction <add>, %mul3A_1004, %reduce_sum3A_1005 [1] : vector<256x256xf32> to vector<256xf32>
      %broadcast_in_dim3A_1007 = vector.shape_cast %reduce_sum3A_1006 : vector<256xf32> to vector<256x1xf32>
      %mul3A_1008 = arith.constant 5.000000e-01 : f32
      %mul3A_1009 = vector.broadcast %mul3A_1008 : f32 to vector<256x1xf32>
      %mul3A_1010 = arith.mulf %mul3A_1009, %broadcast_in_dim3A_1007 : vector<256x1xf32>
      %swap3A_1011 = arith.constant 768 : index
      %swap3A_1012 = arith.constant 0 : index
      %swap3A_1013 = vector.load %arg8[%swap3A_1011, %swap3A_1012] : memref<8192x1xf32, #tpu.memory_space<vmem>>, vector<256x1xf32>
      tpu.vector_store %arg8[%swap3A_1011, %swap3A_1012], %mul3A_1010 {strides = array<i32>} : memref<8192x1xf32, #tpu.memory_space<vmem>>, vector<256x1xf32>,
      %get3A_1014 = arith.constant 1024 : index
      %get3A_1015 = arith.constant 0 : index
      %get3A_1016 = vector.load %arg4[%get3A_1014, %get3A_1015] : memref<8192x256xf32, #tpu.memory_space<vmem>>, vector<256x256xf32>
      %mul3A_1017 = arith.mulf %get3A_1016, %get3A_1016 : vector<256x256xf32>
      %reduce_sum3A_1018 = arith.constant dense<0.000000e+00> : vector<256xf32>
      %reduce_sum3A_1019 = vector.multi_reduction <add>, %mul3A_1017, %reduce_sum3A_1018 [1] : vector<256x256xf32> to vector<256xf32>
      %broadcast_in_dim3A_1020 = vector.shape_cast %reduce_sum3A_1019 : vector<256xf32> to vector<256x1xf32>
      %mul3A_1021 = arith.constant 5.000000e-01 : f32
      %mul3A_1022 = vector.broadcast %mul3A_1021 : f32 to vector<256x1xf32>
      %mul3A_1023 = arith.mulf %mul3A_1022, %broadcast_in_dim3A_1020 : vector<256x1xf32>
      %swap3A_1024 = arith.constant 1024 : index
      %swap3A_1025 = arith.constant 0 : index
      %swap3A_1026 = vector.load %arg8[%swap3A_1024, %swap3A_1025] : memref<8192x1xf32, #tpu.memory_space<vmem>>, vector<256x1xf32>
      tpu.vector_store %arg8[%swap3A_1024, %swap3A_1025], %mul3A_1023 {strides = array<i32>} : memref<8192x1xf32, #tpu.memory_space<vmem>>, vector<256x1xf32>,
      %get3A_1027 = arith.constant 1280 : index
      %get3A_1028 = arith.constant 0 : index
      %get3A_1029 = vector.load %arg4[%get3A_1027, %get3A_1028] : memref<8192x256xf32, #tpu.memory_space<vmem>>, vector<256x256xf32>
      %mul3A_1030 = arith.mulf %get3A_1029, %get3A_1029 : vector<256x256xf32>
      %reduce_sum3A_1031 = arith.constant dense<0.000000e+00> : vector<256xf32>
      %reduce_sum3A_1032 = vector.multi_reduction <add>, %mul3A_1030, %reduce_sum3A_1031 [1] : vector<256x256xf32> to vector<256xf32>
      %broadcast_in_dim3A_1033 = vector.shape_cast %reduce_sum3A_1032 : vector<256xf32> to vector<256x1xf32>
      %mul3A_1034 = arith.constant 5.000000e-01 : f32
      %mul3A_1035 = vector.broadcast %mul3A_1034 : f32 to vector<256x1xf32>
      %mul3A_1036 = arith.mulf %mul3A_1035, %broadcast_in_dim3A_1033 : vector<256x1xf32>
      %swap3A_1037 = arith.constant 1280 : index
      %swap3A_1038 = arith.constant 0 : index
      %swap3A_1039 = vector.load %arg8[%swap3A_1037, %swap3A_1038] : memref<8192x1xf32, #tpu.memory_space<vmem>>, vector<256x1xf32>
      tpu.vector_store %arg8[%swap3A_1037, %swap3A_1038], %mul3A_1036 {strides = array<i32>} : memref<8192x1xf32, #tpu.memory_space<vmem>>, vector<256x1xf32>,
      %get3A_1040 = arith.constant 1536 : index
      %get3A_1041 = arith.constant 0 : index
      %get3A_1042 = vector.load %arg4[%get3A_1040, %get3A_1041] : memref<8192x256xf32, #tpu.memory_space<vmem>>, vector<256x256xf32>
      %mul3A_1043 = arith.mulf %get3A_1042, %get3A_1042 : vector<256x256xf32>
      %reduce_sum3A_1044 = arith.constant dense<0.000000e+00> : vector<256xf32>
      %reduce_sum3A_1045 = vector.multi_reduction <add>, %mul3A_1043, %reduce_sum3A_1044 [1] : vector<256x256xf32> to vector<256xf32>
      %broadcast_in_dim3A_1046 = vector.shape_cast %reduce_sum3A_1045 : vector<256xf32> to vector<256x1xf32>
      %mul3A_1047 = arith.constant 5.000000e-01 : f32
      %mul3A_1048 = vector.broadcast %mul3A_1047 : f32 to vector<256x1xf32>
      %mul3A_1049 = arith.mulf %mul3A_1048, %broadcast_in_dim3A_1046 : vector<256x1xf32>
      %swap3A_1050 = arith.constant 1536 : index
      %swap3A_1051 = arith.constant 0 : index
      %swap3A_1052 = vector.load %arg8[%swap3A_1050, %swap3A_1051] : memref<8192x1xf32, #tpu.memory_space<vmem>>, vector<256x1xf32>
      tpu.vector_store %arg8[%swap3A_1050, %swap3A_1051], %mul3A_1049 {strides = array<i32>} : memref<8192x1xf32, #tpu.memory_space<vmem>>, vector<256x1xf32>,
      %get3A_1053 = arith.constant 1792 : index
      %get3A_1054 = arith.constant 0 : index
      %get3A_1055 = vector.load %arg4[%get3A_1053, %get3A_1054] : memref<8192x256xf32, #tpu.memory_space<vmem>>, vector<256x256xf32>
      %mul3A_1056 = arith.mulf %get3A_1055, %get3A_1055 : vector<256x256xf32>
      %reduce_sum3A_1057 = arith.constant dense<0.000000e+00> : vector<256xf32>
      %reduce_sum3A_1058 = vector.multi_reduction <add>, %mul3A_1056, %reduce_sum3A_1057 [1] : vector<256x256xf32> to vector<256xf32>
      %broadcast_in_dim3A_1059 = vector.shape_cast %reduce_sum3A_1058 : vector<256xf32> to vector<256x1xf32>
      %mul3A_1060 = arith.constant 5.000000e-01 : f32
      %mul3A_1061 = vector.broadcast %mul3A_1060 : f32 to vector<256x1xf32>
      %mul3A_1062 = arith.mulf %mul3A_1061, %broadcast_in_dim3A_1059 : vector<256x1xf32>
      %swap3A_1063 = arith.constant 1792 : index
      %swap3A_1064 = arith.constant 0 : index
      %swap3A_1065 = vector.load %arg8[%swap3A_1063, %swap3A_1064] : memref<8192x1xf32, #tpu.memory_space<vmem>>, vector<256x1xf32>
      tpu.vector_store %arg8[%swap3A_1063, %swap3A_1064], %mul3A_1062 {strides = array<i32>} : memref<8192x1xf32, #tpu.memory_space<vmem>>, vector<256x1xf32>,
      %get3A_1066 = arith.constant 2048 : index
      %get3A_1067 = arith.constant 0 : index
      %get3A_1068 = vector.load %arg4[%get3A_1066, %get3A_1067] : memref<8192x256xf32, #tpu.memory_space<vmem>>, vector<256x256xf32>
      %mul3A_1069 = arith.mulf %get3A_1068, %get3A_1068 : vector<256x256xf32>
      %reduce_sum3A_1070 = arith.constant dense<0.000000e+00> : vector<256xf32>
      %reduce_sum3A_1071 = vector.multi_reduction <add>, %mul3A_1069, %reduce_sum3A_1070 [1] : vector<256x256xf32> to vector<256xf32>
      %broadcast_in_dim3A_1072 = vector.shape_cast %reduce_sum3A_1071 : vector<256xf32> to vector<256x1xf32>
      %mul3A_1073 = arith.constant 5.000000e-01 : f32
      %mul3A_1074 = vector.broadcast %mul3A_1073 : f32 to vector<256x1xf32>
      %mul3A_1075 = arith.mulf %mul3A_1074, %broadcast_in_dim3A_1072 : vector<256x1xf32>
      %swap3A_1076 = arith.constant 2048 : index
      %swap3A_1077 = arith.constant 0 : index
      %swap3A_1078 = vector.load %arg8[%swap3A_1076, %swap3A_1077] : memref<8192x1xf32, #tpu.memory_space<vmem>>, vector<256x1xf32>
      tpu.vector_store %arg8[%swap3A_1076, %swap3A_1077], %mul3A_1075 {strides = array<i32>} : memref<8192x1xf32, #tpu.memory_space<vmem>>, vector<256x1xf32>,
      %get3A_1079 = arith.constant 2304 : index
      %get3A_1080 = arith.constant 0 : index
      %get3A_1081 = vector.load %arg4[%get3A_1079, %get3A_1080] : memref<8192x256xf32, #tpu.memory_space<vmem>>, vector<256x256xf32>
      %mul3A_1082 = arith.mulf %get3A_1081, %get3A_1081 : vector<256x256xf32>
      %reduce_sum3A_1083 = arith.constant dense<0.000000e+00> : vector<256xf32>
      %reduce_sum3A_1084 = vector.multi_reduction <add>, %mul3A_1082, %reduce_sum3A_1083 [1] : vector<256x256xf32> to vector<256xf32>
      %broadcast_in_dim3A_1085 = vector.shape_cast %reduce_sum3A_1084 : vector<256xf32> to vector<256x1xf32>
      %mul3A_1086 = arith.constant 5.000000e-01 : f32
      %mul3A_1087 = vector.broadcast %mul3A_1086 : f32 to vector<256x1xf32>
      %mul3A_1088 = arith.mulf %mul3A_1087, %broadcast_in_dim3A_1085 : vector<256x1xf32>
      %swap3A_1089 = arith.constant 2304 : index
      %swap3A_1090 = arith.constant 0 : index
      %swap3A_1091 = vector.load %arg8[%swap3A_1089, %swap3A_1090] : memref<8192x1xf32, #tpu.memory_space<vmem>>, vector<256x1xf32>
      tpu.vector_store %arg8[%swap3A_1089, %swap3A_1090], %mul3A_1088 {strides = array<i32>} : memref<8192x1xf32, #tpu.memory_space<vmem>>, vector<256x1xf32>,
      %get3A_1092 = arith.constant 2560 : index
      %get3A_1093 = arith.constant 0 : index
      %get3A_1094 = vector.load %arg4[%get3A_1092, %get3A_1093] : memref<8192x256xf32, #tpu.memory_space<vmem>>, vector<256x256xf32>
      %mul3A_1095 = arith.mulf %get3A_1094, %get3A_1094 : vector<256x256xf32>
      %reduce_sum3A_1096 = arith.constant dense<0.000000e+00> : vector<256xf32>
      %reduce_sum3A_1097 = vector.multi_reduction <add>, %mul3A_1095, %reduce_sum3A_1096 [1] : vector<256x256xf32> to vector<256xf32>
      %broadcast_in_dim3A_1098 = vector.shape_cast %reduce_sum3A_1097 : vector<256xf32> to vector<256x1xf32>
      %mul3A_1099 = arith.constant 5.000000e-01 : f32
      %mul3A_1100 = vector.broadcast %mul3A_1099 : f32 to vector<256x1xf32>
      %mul3A_1101 = arith.mulf %mul3A_1100, %broadcast_in_dim3A_1098 : vector<256x1xf32>
      %swap3A_1102 = arith.constant 2560 : index
      %swap3A_1103 = arith.constant 0 : index
      %swap3A_1104 = vector.load %arg8[%swap3A_1102, %swap3A_1103] : memref<8192x1xf32, #tpu.memory_space<vmem>>, vector<256x1xf32>
      tpu.vector_store %arg8[%swap3A_1102, %swap3A_1103], %mul3A_1101 {strides = array<i32>} : memref<8192x1xf32, #tpu.memory_space<vmem>>, vector<256x1xf32>,
      %get3A_1105 = arith.constant 2816 : index
      %get3A_1106 = arith.constant 0 : index
      %get3A_1107 = vector.load %arg4[%get3A_1105, %get3A_1106] : memref<8192x256xf32, #tpu.memory_space<vmem>>, vector<256x256xf32>
      %mul3A_1108 = arith.mulf %get3A_1107, %get3A_1107 : vector<256x256xf32>
      %reduce_sum3A_1109 = arith.constant dense<0.000000e+00> : vector<256xf32>
      %reduce_sum3A_1110 = vector.multi_reduction <add>, %mul3A_1108, %reduce_sum3A_1109 [1] : vector<256x256xf32> to vector<256xf32>
      %broadcast_in_dim3A_1111 = vector.shape_cast %reduce_sum3A_1110 : vector<256xf32> to vector<256x1xf32>
      %mul3A_1112 = arith.constant 5.000000e-01 : f32
      %mul3A_1113 = vector.broadcast %mul3A_1112 : f32 to vector<256x1xf32>
      %mul3A_1114 = arith.mulf %mul3A_1113, %broadcast_in_dim3A_1111 : vector<256x1xf32>
      %swap3A_1115 = arith.constant 2816 : index
      %swap3A_1116 = arith.constant 0 : index
      %swap3A_1117 = vector.load %arg8[%swap3A_1115, %swap3A_1116] : memref<8192x1xf32, #tpu.memory_space<vmem>>, vector<256x1xf32>
      tpu.vector_store %arg8[%swap3A_1115, %swap3A_1116], %mul3A_1114 {strides = array<i32>} : memref<8192x1xf32, #tpu.memory_space<vmem>>, vector<256x1xf32>,
      %get3A_1118 = arith.constant 3072 : index
      %get3A_1119 = arith.constant 0 : index
      %get3A_1120 = vector.load %arg4[%get3A_1118, %get3A_1119] : memref<8192x256xf32, #tpu.memory_space<vmem>>, vector<256x256xf32>
      %mul3A_1121 = arith.mulf %get3A_1120, %get3A_1120 : vector<256x256xf32>
      %reduce_sum3A_1122 = arith.constant dense<0.000000e+00> : vector<256xf32>
      %reduce_sum3A_1123 = vector.multi_reduction <add>, %mul3A_1121, %reduce_sum3A_1122 [1] : vector<256x256xf32> to vector<256xf32>
      %broadcast_in_dim3A_1124 = vector.shape_cast %reduce_sum3A_1123 : vector<256xf32> to vector<256x1xf32>
      %mul3A_1125 = arith.constant 5.000000e-01 : f32
      %mul3A_1126 = vector.broadcast %mul3A_1125 : f32 to vector<256x1xf32>
      %mul3A_1127 = arith.mulf %mul3A_1126, %broadcast_in_dim3A_1124 : vector<256x1xf32>
      %swap3A_1128 = arith.constant 3072 : index
      %swap3A_1129 = arith.constant 0 : index
      %swap3A_1130 = vector.load %arg8[%swap3A_1128, %swap3A_1129] : memref<8192x1xf32, #tpu.memory_space<vmem>>, vector<256x1xf32>
      tpu.vector_store %arg8[%swap3A_1128, %swap3A_1129], %mul3A_1127 {strides = array<i32>} : memref<8192x1xf32, #tpu.memory_space<vmem>>, vector<256x1xf32>,
      %get3A_1131 = arith.constant 3328 : index
      %get3A_1132 = arith.constant 0 : index
      %get3A_1133 = vector.load %arg4[%get3A_1131, %get3A_1132] : memref<8192x256xf32, #tpu.memory_space<vmem>>, vector<256x256xf32>
      %mul3A_1134 = arith.mulf %get3A_1133, %get3A_1133 : vector<256x256xf32>
      %reduce_sum3A_1135 = arith.constant dense<0.000000e+00> : vector<256xf32>
      %reduce_sum3A_1136 = vector.multi_reduction <add>, %mul3A_1134, %reduce_sum3A_1135 [1] : vector<256x256xf32> to vector<256xf32>
      %broadcast_in_dim3A_1137 = vector.shape_cast %reduce_sum3A_1136 : vector<256xf32> to vector<256x1xf32>
      %mul3A_1138 = arith.constant 5.000000e-01 : f32
      %mul3A_1139 = vector.broadcast %mul3A_1138 : f32 to vector<256x1xf32>
      %mul3A_1140 = arith.mulf %mul3A_1139, %broadcast_in_dim3A_1137 : vector<256x1xf32>
      %swap3A_1141 = arith.constant 3328 : index
      %swap3A_1142 = arith.constant 0 : index
      %swap3A_1143 = vector.load %arg8[%swap3A_1141, %swap3A_1142] : memref<8192x1xf32, #tpu.memory_space<vmem>>, vector<256x1xf32>
      tpu.vector_store %arg8[%swap3A_1141, %swap3A_1142], %mul3A_1140 {strides = array<i32>} : memref<8192x1xf32, #tpu.memory_space<vmem>>, vector<256x1xf32>,
      %get3A_1144 = arith.constant 3584 : index
      %get3A_1145 = arith.constant 0 : index
      %get3A_1146 = vector.load %arg4[%get3A_1144, %get3A_1145] : memref<8192x256xf32, #tpu.memory_space<vmem>>, vector<256x256xf32>
      %mul3A_1147 = arith.mulf %get3A_1146, %get3A_1146 : vector<256x256xf32>
      %reduce_sum3A_1148 = arith.constant dense<0.000000e+00> : vector<256xf32>
      %reduce_sum3A_1149 = vector.multi_reduction <add>, %mul3A_1147, %reduce_sum3A_1148 [1] : vector<256x256xf32> to vector<256xf32>
      %broadcast_in_dim3A_1150 = vector.shape_cast %reduce_sum3A_1149 : vector<256xf32> to vector<256x1xf32>
      %mul3A_1151 = arith.constant 5.000000e-01 : f32
      %mul3A_1152 = vector.broadcast %mul3A_1151 : f32 to vector<256x1xf32>
      %mul3A_1153 = arith.mulf %mul3A_1152, %broadcast_in_dim3A_1150 : vector<256x1xf32>
      %swap3A_1154 = arith.constant 3584 : index
      %swap3A_1155 = arith.constant 0 : index
      %swap3A_1156 = vector.load %arg8[%swap3A_1154, %swap3A_1155] : memref<8192x1xf32, #tpu.memory_space<vmem>>, vector<256x1xf32>
      tpu.vector_store %arg8[%swap3A_1154, %swap3A_1155], %mul3A_1153 {strides = array<i32>} : memref<8192x1xf32, #tpu.memory_space<vmem>>, vector<256x1xf32>,
      %get3A_1157 = arith.constant 3840 : index
      %get3A_1158 = arith.constant 0 : index
      %get3A_1159 = vector.load %arg4[%get3A_1157, %get3A_1158] : memref<8192x256xf32, #tpu.memory_space<vmem>>, vector<256x256xf32>
      %mul3A_1160 = arith.mulf %get3A_1159, %get3A_1159 : vector<256x256xf32>
      %reduce_sum3A_1161 = arith.constant dense<0.000000e+00> : vector<256xf32>
      %reduce_sum3A_1162 = vector.multi_reduction <add>, %mul3A_1160, %reduce_sum3A_1161 [1] : vector<256x256xf32> to vector<256xf32>
      %broadcast_in_dim3A_1163 = vector.shape_cast %reduce_sum3A_1162 : vector<256xf32> to vector<256x1xf32>
      %mul3A_1164 = arith.constant 5.000000e-01 : f32
      %mul3A_1165 = vector.broadcast %mul3A_1164 : f32 to vector<256x1xf32>
      %mul3A_1166 = arith.mulf %mul3A_1165, %broadcast_in_dim3A_1163 : vector<256x1xf32>
      %swap3A_1167 = arith.constant 3840 : index
      %swap3A_1168 = arith.constant 0 : index
      %swap3A_1169 = vector.load %arg8[%swap3A_1167, %swap3A_1168] : memref<8192x1xf32, #tpu.memory_space<vmem>>, vector<256x1xf32>
      tpu.vector_store %arg8[%swap3A_1167, %swap3A_1168], %mul3A_1166 {strides = array<i32>} : memref<8192x1xf32, #tpu.memory_space<vmem>>, vector<256x1xf32>,
      %get3A_1170 = arith.constant 4096 : index
      %get3A_1171 = arith.constant 0 : index
      %get3A_1172 = vector.load %arg4[%get3A_1170, %get3A_1171] : memref<8192x256xf32, #tpu.memory_space<vmem>>, vector<256x256xf32>
      %mul3A_1173 = arith.mulf %get3A_1172, %get3A_1172 : vector<256x256xf32>
      %reduce_sum3A_1174 = arith.constant dense<0.000000e+00> : vector<256xf32>
      %reduce_sum3A_1175 = vector.multi_reduction <add>, %mul3A_1173, %reduce_sum3A_1174 [1] : vector<256x256xf32> to vector<256xf32>
      %broadcast_in_dim3A_1176 = vector.shape_cast %reduce_sum3A_1175 : vector<256xf32> to vector<256x1xf32>
      %mul3A_1177 = arith.constant 5.000000e-01 : f32
      %mul3A_1178 = vector.broadcast %mul3A_1177 : f32 to vector<256x1xf32>
      %mul3A_1179 = arith.mulf %mul3A_1178, %broadcast_in_dim3A_1176 : vector<256x1xf32>
      %swap3A_1180 = arith.constant 4096 : index
      %swap3A_1181 = arith.constant 0 : index
      %swap3A_1182 = vector.load %arg8[%swap3A_1180, %swap3A_1181] : memref<8192x1xf32, #tpu.memory_space<vmem>>, vector<256x1xf32>
      tpu.vector_store %arg8[%swap3A_1180, %swap3A_1181], %mul3A_1179 {strides = array<i32>} : memref<8192x1xf32, #tpu.memory_space<vmem>>, vector<256x1xf32>,
      %get3A_1183 = arith.constant 4352 : index
      %get3A_1184 = arith.constant 0 : index
      %get3A_1185 = vector.load %arg4[%get3A_1183, %get3A_1184] : memref<8192x256xf32, #tpu.memory_space<vmem>>, vector<256x256xf32>
      %mul3A_1186 = arith.mulf %get3A_1185, %get3A_1185 : vector<256x256xf32>
      %reduce_sum3A_1187 = arith.constant dense<0.000000e+00> : vector<256xf32>
      %reduce_sum3A_1188 = vector.multi_reduction <add>, %mul3A_1186, %reduce_sum3A_1187 [1] : vector<256x256xf32> to vector<256xf32>
      %broadcast_in_dim3A_1189 = vector.shape_cast %reduce_sum3A_1188 : vector<256xf32> to vector<256x1xf32>
      %mul3A_1190 = arith.constant 5.000000e-01 : f32
      %mul3A_1191 = vector.broadcast %mul3A_1190 : f32 to vector<256x1xf32>
      %mul3A_1192 = arith.mulf %mul3A_1191, %broadcast_in_dim3A_1189 : vector<256x1xf32>
      %swap3A_1193 = arith.constant 4352 : index
      %swap3A_1194 = arith.constant 0 : index
      %swap3A_1195 = vector.load %arg8[%swap3A_1193, %swap3A_1194] : memref<8192x1xf32, #tpu.memory_space<vmem>>, vector<256x1xf32>
      tpu.vector_store %arg8[%swap3A_1193, %swap3A_1194], %mul3A_1192 {strides = array<i32>} : memref<8192x1xf32, #tpu.memory_space<vmem>>, vector<256x1xf32>,
      %get3A_1196 = arith.constant 4608 : index
      %get3A_1197 = arith.constant 0 : index
      %get3A_1198 = vector.load %arg4[%get3A_1196, %get3A_1197] : memref<8192x256xf32, #tpu.memory_space<vmem>>, vector<256x256xf32>
      %mul3A_1199 = arith.mulf %get3A_1198, %get3A_1198 : vector<256x256xf32>
      %reduce_sum3A_1200 = arith.constant dense<0.000000e+00> : vector<256xf32>
      %reduce_sum3A_1201 = vector.multi_reduction <add>, %mul3A_1199, %reduce_sum3A_1200 [1] : vector<256x256xf32> to vector<256xf32>
      %broadcast_in_dim3A_1202 = vector.shape_cast %reduce_sum3A_1201 : vector<256xf32> to vector<256x1xf32>
      %mul3A_1203 = arith.constant 5.000000e-01 : f32
      %mul3A_1204 = vector.broadcast %mul3A_1203 : f32 to vector<256x1xf32>
      %mul3A_1205 = arith.mulf %mul3A_1204, %broadcast_in_dim3A_1202 : vector<256x1xf32>
      %swap3A_1206 = arith.constant 4608 : index
      %swap3A_1207 = arith.constant 0 : index
      %swap3A_1208 = vector.load %arg8[%swap3A_1206, %swap3A_1207] : memref<8192x1xf32, #tpu.memory_space<vmem>>, vector<256x1xf32>
      tpu.vector_store %arg8[%swap3A_1206, %swap3A_1207], %mul3A_1205 {strides = array<i32>} : memref<8192x1xf32, #tpu.memory_space<vmem>>, vector<256x1xf32>,
      %get3A_1209 = arith.constant 4864 : index
      %get3A_1210 = arith.constant 0 : index
      %get3A_1211 = vector.load %arg4[%get3A_1209, %get3A_1210] : memref<8192x256xf32, #tpu.memory_space<vmem>>, vector<256x256xf32>
      %mul3A_1212 = arith.mulf %get3A_1211, %get3A_1211 : vector<256x256xf32>
      %reduce_sum3A_1213 = arith.constant dense<0.000000e+00> : vector<256xf32>
      %reduce_sum3A_1214 = vector.multi_reduction <add>, %mul3A_1212, %reduce_sum3A_1213 [1] : vector<256x256xf32> to vector<256xf32>
      %broadcast_in_dim3A_1215 = vector.shape_cast %reduce_sum3A_1214 : vector<256xf32> to vector<256x1xf32>
      %mul3A_1216 = arith.constant 5.000000e-01 : f32
      %mul3A_1217 = vector.broadcast %mul3A_1216 : f32 to vector<256x1xf32>
      %mul3A_1218 = arith.mulf %mul3A_1217, %broadcast_in_dim3A_1215 : vector<256x1xf32>
      %swap3A_1219 = arith.constant 4864 : index
      %swap3A_1220 = arith.constant 0 : index
      %swap3A_1221 = vector.load %arg8[%swap3A_1219, %swap3A_1220] : memref<8192x1xf32, #tpu.memory_space<vmem>>, vector<256x1xf32>
      tpu.vector_store %arg8[%swap3A_1219, %swap3A_1220], %mul3A_1218 {strides = array<i32>} : memref<8192x1xf32, #tpu.memory_space<vmem>>, vector<256x1xf32>,
      %get3A_1222 = arith.constant 5120 : index
      %get3A_1223 = arith.constant 0 : index
      %get3A_1224 = vector.load %arg4[%get3A_1222, %get3A_1223] : memref<8192x256xf32, #tpu.memory_space<vmem>>, vector<256x256xf32>
      %mul3A_1225 = arith.mulf %get3A_1224, %get3A_1224 : vector<256x256xf32>
      %reduce_sum3A_1226 = arith.constant dense<0.000000e+00> : vector<256xf32>
      %reduce_sum3A_1227 = vector.multi_reduction <add>, %mul3A_1225, %reduce_sum3A_1226 [1] : vector<256x256xf32> to vector<256xf32>
      %broadcast_in_dim3A_1228 = vector.shape_cast %reduce_sum3A_1227 : vector<256xf32> to vector<256x1xf32>
      %mul3A_1229 = arith.constant 5.000000e-01 : f32
      %mul3A_1230 = vector.broadcast %mul3A_1229 : f32 to vector<256x1xf32>
      %mul3A_1231 = arith.mulf %mul3A_1230, %broadcast_in_dim3A_1228 : vector<256x1xf32>
      %swap3A_1232 = arith.constant 5120 : index
      %swap3A_1233 = arith.constant 0 : index
      %swap3A_1234 = vector.load %arg8[%swap3A_1232, %swap3A_1233] : memref<8192x1xf32, #tpu.memory_space<vmem>>, vector<256x1xf32>
      tpu.vector_store %arg8[%swap3A_1232, %swap3A_1233], %mul3A_1231 {strides = array<i32>} : memref<8192x1xf32, #tpu.memory_space<vmem>>, vector<256x1xf32>,
      %get3A_1235 = arith.constant 5376 : index
      %get3A_1236 = arith.constant 0 : index
      %get3A_1237 = vector.load %arg4[%get3A_1235, %get3A_1236] : memref<8192x256xf32, #tpu.memory_space<vmem>>, vector<256x256xf32>
      %mul3A_1238 = arith.mulf %get3A_1237, %get3A_1237 : vector<256x256xf32>
      %reduce_sum3A_1239 = arith.constant dense<0.000000e+00> : vector<256xf32>
      %reduce_sum3A_1240 = vector.multi_reduction <add>, %mul3A_1238, %reduce_sum3A_1239 [1] : vector<256x256xf32> to vector<256xf32>
      %broadcast_in_dim3A_1241 = vector.shape_cast %reduce_sum3A_1240 : vector<256xf32> to vector<256x1xf32>
      %mul3A_1242 = arith.constant 5.000000e-01 : f32
      %mul3A_1243 = vector.broadcast %mul3A_1242 : f32 to vector<256x1xf32>
      %mul3A_1244 = arith.mulf %mul3A_1243, %broadcast_in_dim3A_1241 : vector<256x1xf32>
      %swap3A_1245 = arith.constant 5376 : index
      %swap3A_1246 = arith.constant 0 : index
      %swap3A_1247 = vector.load %arg8[%swap3A_1245, %swap3A_1246] : memref<8192x1xf32, #tpu.memory_space<vmem>>, vector<256x1xf32>
      tpu.vector_store %arg8[%swap3A_1245, %swap3A_1246], %mul3A_1244 {strides = array<i32>} : memref<8192x1xf32, #tpu.memory_space<vmem>>, vector<256x1xf32>,
      %get3A_1248 = arith.constant 5632 : index
      %get3A_1249 = arith.constant 0 : index
      %get3A_1250 = vector.load %arg4[%get3A_1248, %get3A_1249] : memref<8192x256xf32, #tpu.memory_space<vmem>>, vector<256x256xf32>
      %mul3A_1251 = arith.mulf %get3A_1250, %get3A_1250 : vector<256x256xf32>
      %reduce_sum3A_1252 = arith.constant dense<0.000000e+00> : vector<256xf32>
      %reduce_sum3A_1253 = vector.multi_reduction <add>, %mul3A_1251, %reduce_sum3A_1252 [1] : vector<256x256xf32> to vector<256xf32>
      %broadcast_in_dim3A_1254 = vector.shape_cast %reduce_sum3A_1253 : vector<256xf32> to vector<256x1xf32>
      %mul3A_1255 = arith.constant 5.000000e-01 : f32
      %mul3A_1256 = vector.broadcast %mul3A_1255 : f32 to vector<256x1xf32>
      %mul3A_1257 = arith.mulf %mul3A_1256, %broadcast_in_dim3A_1254 : vector<256x1xf32>
      %swap3A_1258 = arith.constant 5632 : index
      %swap3A_1259 = arith.constant 0 : index
      %swap3A_1260 = vector.load %arg8[%swap3A_1258, %swap3A_1259] : memref<8192x1xf32, #tpu.memory_space<vmem>>, vector<256x1xf32>
      tpu.vector_store %arg8[%swap3A_1258, %swap3A_1259], %mul3A_1257 {strides = array<i32>} : memref<8192x1xf32, #tpu.memory_space<vmem>>, vector<256x1xf32>,
      %get3A_1261 = arith.constant 5888 : index
      %get3A_1262 = arith.constant 0 : index
      %get3A_1263 = vector.load %arg4[%get3A_1261, %get3A_1262] : memref<8192x256xf32, #tpu.memory_space<vmem>>, vector<256x256xf32>
      %mul3A_1264 = arith.mulf %get3A_1263, %get3A_1263 : vector<256x256xf32>
      %reduce_sum3A_1265 = arith.constant dense<0.000000e+00> : vector<256xf32>
      %reduce_sum3A_1266 = vector.multi_reduction <add>, %mul3A_1264, %reduce_sum3A_1265 [1] : vector<256x256xf32> to vector<256xf32>
      %broadcast_in_dim3A_1267 = vector.shape_cast %reduce_sum3A_1266 : vector<256xf32> to vector<256x1xf32>
      %mul3A_1268 = arith.constant 5.000000e-01 : f32
      %mul3A_1269 = vector.broadcast %mul3A_1268 : f32 to vector<256x1xf32>
      %mul3A_1270 = arith.mulf %mul3A_1269, %broadcast_in_dim3A_1267 : vector<256x1xf32>
      %swap3A_1271 = arith.constant 5888 : index
      %swap3A_1272 = arith.constant 0 : index
      %swap3A_1273 = vector.load %arg8[%swap3A_1271, %swap3A_1272] : memref<8192x1xf32, #tpu.memory_space<vmem>>, vector<256x1xf32>
      tpu.vector_store %arg8[%swap3A_1271, %swap3A_1272], %mul3A_1270 {strides = array<i32>} : memref<8192x1xf32, #tpu.memory_space<vmem>>, vector<256x1xf32>,
      %get3A_1274 = arith.constant 6144 : index
      %get3A_1275 = arith.constant 0 : index
      %get3A_1276 = vector.load %arg4[%get3A_1274, %get3A_1275] : memref<8192x256xf32, #tpu.memory_space<vmem>>, vector<256x256xf32>
      %mul3A_1277 = arith.mulf %get3A_1276, %get3A_1276 : vector<256x256xf32>
      %reduce_sum3A_1278 = arith.constant dense<0.000000e+00> : vector<256xf32>
      %reduce_sum3A_1279 = vector.multi_reduction <add>, %mul3A_1277, %reduce_sum3A_1278 [1] : vector<256x256xf32> to vector<256xf32>
      %broadcast_in_dim3A_1280 = vector.shape_cast %reduce_sum3A_1279 : vector<256xf32> to vector<256x1xf32>
      %mul3A_1281 = arith.constant 5.000000e-01 : f32
      %mul3A_1282 = vector.broadcast %mul3A_1281 : f32 to vector<256x1xf32>
      %mul3A_1283 = arith.mulf %mul3A_1282, %broadcast_in_dim3A_1280 : vector<256x1xf32>
      %swap3A_1284 = arith.constant 6144 : index
      %swap3A_1285 = arith.constant 0 : index
      %swap3A_1286 = vector.load %arg8[%swap3A_1284, %swap3A_1285] : memref<8192x1xf32, #tpu.memory_space<vmem>>, vector<256x1xf32>
      tpu.vector_store %arg8[%swap3A_1284, %swap3A_1285], %mul3A_1283 {strides = array<i32>} : memref<8192x1xf32, #tpu.memory_space<vmem>>, vector<256x1xf32>,
      %get3A_1287 = arith.constant 6400 : index
      %get3A_1288 = arith.constant 0 : index
      %get3A_1289 = vector.load %arg4[%get3A_1287, %get3A_1288] : memref<8192x256xf32, #tpu.memory_space<vmem>>, vector<256x256xf32>
      %mul3A_1290 = arith.mulf %get3A_1289, %get3A_1289 : vector<256x256xf32>
      %reduce_sum3A_1291 = arith.constant dense<0.000000e+00> : vector<256xf32>
      %reduce_sum3A_1292 = vector.multi_reduction <add>, %mul3A_1290, %reduce_sum3A_1291 [1] : vector<256x256xf32> to vector<256xf32>
      %broadcast_in_dim3A_1293 = vector.shape_cast %reduce_sum3A_1292 : vector<256xf32> to vector<256x1xf32>
      %mul3A_1294 = arith.constant 5.000000e-01 : f32
      %mul3A_1295 = vector.broadcast %mul3A_1294 : f32 to vector<256x1xf32>
      %mul3A_1296 = arith.mulf %mul3A_1295, %broadcast_in_dim3A_1293 : vector<256x1xf32>
      %swap3A_1297 = arith.constant 6400 : index
      %swap3A_1298 = arith.constant 0 : index
      %swap3A_1299 = vector.load %arg8[%swap3A_1297, %swap3A_1298] : memref<8192x1xf32, #tpu.memory_space<vmem>>, vector<256x1xf32>
      tpu.vector_store %arg8[%swap3A_1297, %swap3A_1298], %mul3A_1296 {strides = array<i32>} : memref<8192x1xf32, #tpu.memory_space<vmem>>, vector<256x1xf32>,
      %get3A_1300 = arith.constant 6656 : index
      %get3A_1301 = arith.constant 0 : index
      %get3A_1302 = vector.load %arg4[%get3A_1300, %get3A_1301] : memref<8192x256xf32, #tpu.memory_space<vmem>>, vector<256x256xf32>
      %mul3A_1303 = arith.mulf %get3A_1302, %get3A_1302 : vector<256x256xf32>
      %reduce_sum3A_1304 = arith.constant dense<0.000000e+00> : vector<256xf32>
      %reduce_sum3A_1305 = vector.multi_reduction <add>, %mul3A_1303, %reduce_sum3A_1304 [1] : vector<256x256xf32> to vector<256xf32>
      %broadcast_in_dim3A_1306 = vector.shape_cast %reduce_sum3A_1305 : vector<256xf32> to vector<256x1xf32>
      %mul3A_1307 = arith.constant 5.000000e-01 : f32
      %mul3A_1308 = vector.broadcast %mul3A_1307 : f32 to vector<256x1xf32>
      %mul3A_1309 = arith.mulf %mul3A_1308, %broadcast_in_dim3A_1306 : vector<256x1xf32>
      %swap3A_1310 = arith.constant 6656 : index
      %swap3A_1311 = arith.constant 0 : index
      %swap3A_1312 = vector.load %arg8[%swap3A_1310, %swap3A_1311] : memref<8192x1xf32, #tpu.memory_space<vmem>>, vector<256x1xf32>
      tpu.vector_store %arg8[%swap3A_1310, %swap3A_1311], %mul3A_1309 {strides = array<i32>} : memref<8192x1xf32, #tpu.memory_space<vmem>>, vector<256x1xf32>,
      %get3A_1313 = arith.constant 6912 : index
      %get3A_1314 = arith.constant 0 : index
      %get3A_1315 = vector.load %arg4[%get3A_1313, %get3A_1314] : memref<8192x256xf32, #tpu.memory_space<vmem>>, vector<256x256xf32>
      %mul3A_1316 = arith.mulf %get3A_1315, %get3A_1315 : vector<256x256xf32>
      %reduce_sum3A_1317 = arith.constant dense<0.000000e+00> : vector<256xf32>
      %reduce_sum3A_1318 = vector.multi_reduction <add>, %mul3A_1316, %reduce_sum3A_1317 [1] : vector<256x256xf32> to vector<256xf32>
      %broadcast_in_dim3A_1319 = vector.shape_cast %reduce_sum3A_1318 : vector<256xf32> to vector<256x1xf32>
      %mul3A_1320 = arith.constant 5.000000e-01 : f32
      %mul3A_1321 = vector.broadcast %mul3A_1320 : f32 to vector<256x1xf32>
      %mul3A_1322 = arith.mulf %mul3A_1321, %broadcast_in_dim3A_1319 : vector<256x1xf32>
      %swap3A_1323 = arith.constant 6912 : index
      %swap3A_1324 = arith.constant 0 : index
      %swap3A_1325 = vector.load %arg8[%swap3A_1323, %swap3A_1324] : memref<8192x1xf32, #tpu.memory_space<vmem>>, vector<256x1xf32>
      tpu.vector_store %arg8[%swap3A_1323, %swap3A_1324], %mul3A_1322 {strides = array<i32>} : memref<8192x1xf32, #tpu.memory_space<vmem>>, vector<256x1xf32>,
      %get3A_1326 = arith.constant 7168 : index
      %get3A_1327 = arith.constant 0 : index
      %get3A_1328 = vector.load %arg4[%get3A_1326, %get3A_1327] : memref<8192x256xf32, #tpu.memory_space<vmem>>, vector<256x256xf32>
      %mul3A_1329 = arith.mulf %get3A_1328, %get3A_1328 : vector<256x256xf32>
      %reduce_sum3A_1330 = arith.constant dense<0.000000e+00> : vector<256xf32>
      %reduce_sum3A_1331 = vector.multi_reduction <add>, %mul3A_1329, %reduce_sum3A_1330 [1] : vector<256x256xf32> to vector<256xf32>
      %broadcast_in_dim3A_1332 = vector.shape_cast %reduce_sum3A_1331 : vector<256xf32> to vector<256x1xf32>
      %mul3A_1333 = arith.constant 5.000000e-01 : f32
      %mul3A_1334 = vector.broadcast %mul3A_1333 : f32 to vector<256x1xf32>
      %mul3A_1335 = arith.mulf %mul3A_1334, %broadcast_in_dim3A_1332 : vector<256x1xf32>
      %swap3A_1336 = arith.constant 7168 : index
      %swap3A_1337 = arith.constant 0 : index
      %swap3A_1338 = vector.load %arg8[%swap3A_1336, %swap3A_1337] : memref<8192x1xf32, #tpu.memory_space<vmem>>, vector<256x1xf32>
      tpu.vector_store %arg8[%swap3A_1336, %swap3A_1337], %mul3A_1335 {strides = array<i32>} : memref<8192x1xf32, #tpu.memory_space<vmem>>, vector<256x1xf32>,
      %get3A_1339 = arith.constant 7424 : index
      %get3A_1340 = arith.constant 0 : index
      %get3A_1341 = vector.load %arg4[%get3A_1339, %get3A_1340] : memref<8192x256xf32, #tpu.memory_space<vmem>>, vector<256x256xf32>
      %mul3A_1342 = arith.mulf %get3A_1341, %get3A_1341 : vector<256x256xf32>
      %reduce_sum3A_1343 = arith.constant dense<0.000000e+00> : vector<256xf32>
      %reduce_sum3A_1344 = vector.multi_reduction <add>, %mul3A_1342, %reduce_sum3A_1343 [1] : vector<256x256xf32> to vector<256xf32>
      %broadcast_in_dim3A_1345 = vector.shape_cast %reduce_sum3A_1344 : vector<256xf32> to vector<256x1xf32>
      %mul3A_1346 = arith.constant 5.000000e-01 : f32
      %mul3A_1347 = vector.broadcast %mul3A_1346 : f32 to vector<256x1xf32>
      %mul3A_1348 = arith.mulf %mul3A_1347, %broadcast_in_dim3A_1345 : vector<256x1xf32>
      %swap3A_1349 = arith.constant 7424 : index
      %swap3A_1350 = arith.constant 0 : index
      %swap3A_1351 = vector.load %arg8[%swap3A_1349, %swap3A_1350] : memref<8192x1xf32, #tpu.memory_space<vmem>>, vector<256x1xf32>
      tpu.vector_store %arg8[%swap3A_1349, %swap3A_1350], %mul3A_1348 {strides = array<i32>} : memref<8192x1xf32, #tpu.memory_space<vmem>>, vector<256x1xf32>,
      %get3A_1352 = arith.constant 7680 : index
      %get3A_1353 = arith.constant 0 : index
      %get3A_1354 = vector.load %arg4[%get3A_1352, %get3A_1353] : memref<8192x256xf32, #tpu.memory_space<vmem>>, vector<256x256xf32>
      %mul3A_1355 = arith.mulf %get3A_1354, %get3A_1354 : vector<256x256xf32>
      %reduce_sum3A_1356 = arith.constant dense<0.000000e+00> : vector<256xf32>
      %reduce_sum3A_1357 = vector.multi_reduction <add>, %mul3A_1355, %reduce_sum3A_1356 [1] : vector<256x256xf32> to vector<256xf32>
      %broadcast_in_dim3A_1358 = vector.shape_cast %reduce_sum3A_1357 : vector<256xf32> to vector<256x1xf32>
      %mul3A_1359 = arith.constant 5.000000e-01 : f32
      %mul3A_1360 = vector.broadcast %mul3A_1359 : f32 to vector<256x1xf32>
      %mul3A_1361 = arith.mulf %mul3A_1360, %broadcast_in_dim3A_1358 : vector<256x1xf32>
      %swap3A_1362 = arith.constant 7680 : index
      %swap3A_1363 = arith.constant 0 : index
      %swap3A_1364 = vector.load %arg8[%swap3A_1362, %swap3A_1363] : memref<8192x1xf32, #tpu.memory_space<vmem>>, vector<256x1xf32>
      tpu.vector_store %arg8[%swap3A_1362, %swap3A_1363], %mul3A_1361 {strides = array<i32>} : memref<8192x1xf32, #tpu.memory_space<vmem>>, vector<256x1xf32>,
      %get3A_1365 = arith.constant 7936 : index
      %get3A_1366 = arith.constant 0 : index
      %get3A_1367 = vector.load %arg4[%get3A_1365, %get3A_1366] : memref<8192x256xf32, #tpu.memory_space<vmem>>, vector<256x256xf32>
      %mul3A_1368 = arith.mulf %get3A_1367, %get3A_1367 : vector<256x256xf32>
      %reduce_sum3A_1369 = arith.constant dense<0.000000e+00> : vector<256xf32>
      %reduce_sum3A_1370 = vector.multi_reduction <add>, %mul3A_1368, %reduce_sum3A_1369 [1] : vector<256x256xf32> to vector<256xf32>
      %broadcast_in_dim3A_1371 = vector.shape_cast %reduce_sum3A_1370 : vector<256xf32> to vector<256x1xf32>
      %mul3A_1372 = arith.constant 5.000000e-01 : f32
      %mul3A_1373 = vector.broadcast %mul3A_1372 : f32 to vector<256x1xf32>
      %mul3A_1374 = arith.mulf %mul3A_1373, %broadcast_in_dim3A_1371 : vector<256x1xf32>
      %swap3A_1375 = arith.constant 7936 : index
      %swap3A_1376 = arith.constant 0 : index
      %swap3A_1377 = vector.load %arg8[%swap3A_1375, %swap3A_1376] : memref<8192x1xf32, #tpu.memory_space<vmem>>, vector<256x1xf32>
      tpu.vector_store %arg8[%swap3A_1375, %swap3A_1376], %mul3A_1374 {strides = array<i32>} : memref<8192x1xf32, #tpu.memory_space<vmem>>, vector<256x1xf32>,
    } else {
    }
    %get3A = arith.constant 0 : index
    %get3A_2 = arith.constant 0 : index
    %get3A_3 = vector.load %arg2[%get3A, %get3A_2] : memref<256x384xf32, #tpu.memory_space<vmem>>, vector<256x384xf32>
    %get3A_4 = arith.constant 0 : index
    %get3A_5 = arith.constant 0 : index
    %get3A_6 = arith.constant 0 : index
    %get3A_7 = vector.load %arg1[%get3A_4, %get3A_5, %get3A_6] : memref<1x384x1024xf32, #tpu.memory_space<vmem>>, vector<1x384x1024xf32>
    %get3A_8 = vector.shape_cast %get3A_7 : vector<1x384x1024xf32> to vector<384x1024xf32>
    %dot_general3A = arith.constant dense<0.000000e+00> : vector<256x1024xf32>
    %dot_general3A_9 = tpu.matmul %get3A_3, %get3A_8, %dot_general3A {dimension_numbers = #tpu.dot_dimension_numbers<[1], [0], [0], [1], [0, 0, 1, 1], [], []>, transpose_lhs_hint = false} : vector<256x384xf32>, vector<384x1024xf32>, vector<256x1024xf32> -> vector<256x1024xf32>
    %get3A_10 = arith.constant 0 : index
    %get3A_11 = arith.constant 0 : index
    %get3A_12 = vector.load %arg3[%get3A_10, %get3A_11] : memref<256x1xf32, #tpu.memory_space<vmem>>, vector<256x1xf32>
    %add3A = vector.broadcast %get3A_12 : vector<256x1xf32> to vector<256x1024xf32>
    %add3A_13 = arith.addf %dot_general3A_9, %add3A : vector<256x1024xf32>
    %mul3A = arith.mulf %add3A_13, %add3A_13 : vector<256x1024xf32>
    %reduce_sum3A = vector.shape_cast %mul3A : vector<256x1024xf32> to vector<1x256x1024xf32>
    %reduce_sum3A_14 = arith.constant dense<0.000000e+00> : vector<1xf32>
    %reduce_sum3A_15 = vector.multi_reduction <add>, %reduce_sum3A, %reduce_sum3A_14 [1, 2] : vector<1x256x1024xf32> to vector<1xf32>
    %reduce_sum3A_16 = vector.shape_cast %reduce_sum3A_15 : vector<1xf32> to vector<1x1x1xf32>
    %reduce_sum3A_17 = vector.extract %reduce_sum3A_16[0, 0, 0] : f32 from vector<1x1x1xf32>
    %reshape3A = vector.broadcast %reduce_sum3A_17 : f32 to vector<1x1x1xf32>
    %swap3A = arith.constant 0 : index
    %swap3A_18 = arith.constant 0 : index
    %swap3A_19 = arith.constant 0 : index
    %swap3A_20 = vector.load %arg6[%swap3A, %swap3A_18, %swap3A_19] : memref<1x1x1xf32, #tpu.memory_space<vmem>>, vector<1x1x1xf32>
    tpu.vector_store %arg6[%swap3A, %swap3A_18, %swap3A_19], %reshape3A {strides = array<i32>} : memref<1x1x1xf32, #tpu.memory_space<vmem>>, vector<1x1x1xf32>,
    %broadcast_in_dim3A = arith.constant 0x7F800000 : f32
    %broadcast_in_dim3A_21 = vector.broadcast %broadcast_in_dim3A : f32 to vector<1x1024xf32>
    %broadcast_in_dim3A_22 = arith.constant 0.000000e+00 : f32
    %broadcast_in_dim3A_23 = vector.broadcast %broadcast_in_dim3A_22 : f32 to vector<1x1024xf32>
    %get3A_24 = arith.constant 0 : index
    %get3A_25 = arith.constant 0 : index
    %get3A_26 = vector.load %arg4[%get3A_24, %get3A_25] : memref<8192x256xf32, #tpu.memory_space<vmem>>, vector<256x256xf32>
    %dot_general3A_27 = arith.constant dense<0.000000e+00> : vector<256x1024xf32>
    %dot_general3A_28 = tpu.matmul %get3A_26, %add3A_13, %dot_general3A_27 {dimension_numbers = #tpu.dot_dimension_numbers<[1], [0], [0], [1], [0, 0, 1, 1], [], []>, transpose_lhs_hint = false} : vector<256x256xf32>, vector<256x1024xf32>, vector<256x1024xf32> -> vector<256x1024xf32>
    %get3A_29 = arith.constant 0 : index
    %get3A_30 = arith.constant 0 : index
    %get3A_31 = vector.load %arg8[%get3A_29, %get3A_30] : memref<8192x1xf32, #tpu.memory_space<vmem>>, vector<256x1xf32>
    %sub3A = vector.broadcast %get3A_31 : vector<256x1xf32> to vector<256x1024xf32>
    %sub3A_32 = arith.subf %sub3A, %dot_general3A_28 : vector<256x1024xf32>
    %reduce_min3A = arith.constant dense<0x7F800000> : vector<1024xf32>
    %reduce_min3A_33 = vector.multi_reduction <minimumf>, %sub3A_32, %reduce_min3A [0] : vector<256x1024xf32> to vector<1024xf32>
    %broadcast_in_dim3A_34 = vector.shape_cast %reduce_min3A_33 : vector<1024xf32> to vector<1x1024xf32>
    %iota3A = tpu.iota {dimensions = array<i32: 0>} : vector<256x1024xi32>
    %convert_element_type3A_35 = arith.sitofp %iota3A : vector<256x1024xi32> to vector<256x1024xf32>
    %eq3A_36 = vector.broadcast %broadcast_in_dim3A_34 : vector<1x1024xf32> to vector<256x1024xf32>
    %eq3A_37 = arith.cmpf oeq, %sub3A_32, %eq3A_36 : vector<256x1024xf32>
    %jit3A = arith.constant 3.000000e+38 : f32
    %broadcast_in_dim3A_38 = vector.broadcast %jit3A : f32 to vector<256x1024xf32>
    %select_n3A = arith.select %eq3A_37, %convert_element_type3A_35, %broadcast_in_dim3A_38 : vector<256x1024xi1>, vector<256x1024xf32>
    %reduce_min3A_39 = arith.constant dense<0x7F800000> : vector<1024xf32>
    %reduce_min3A_40 = vector.multi_reduction <minimumf>, %select_n3A, %reduce_min3A_39 [0] : vector<256x1024xf32> to vector<1024xf32>
    %broadcast_in_dim3A_41 = vector.shape_cast %reduce_min3A_40 : vector<1024xf32> to vector<1x1024xf32>
    %add3A_42 = arith.constant 0.000000e+00 : f32
    %add3A_43 = vector.broadcast %add3A_42 : f32 to vector<1x1024xf32>
    %add3A_44 = arith.addf %broadcast_in_dim3A_41, %add3A_43 : vector<1x1024xf32>
    %lt3A = arith.cmpf olt, %broadcast_in_dim3A_34, %broadcast_in_dim3A_21 : vector<1x1024xf32>
    %select_n3A_45 = arith.select %lt3A, %broadcast_in_dim3A_34, %broadcast_in_dim3A_21 : vector<1x1024xi1>, vector<1x1024xf32>
    %select_n3A_46 = arith.select %lt3A, %add3A_44, %broadcast_in_dim3A_23 : vector<1x1024xi1>, vector<1x1024xf32>
    %get3A_47 = arith.constant 256 : index
    %get3A_48 = arith.constant 0 : index
    %get3A_49 = vector.load %arg4[%get3A_47, %get3A_48] : memref<8192x256xf32, #tpu.memory_space<vmem>>, vector<256x256xf32>
    %dot_general3A_50 = arith.constant dense<0.000000e+00> : vector<256x1024xf32>
    %dot_general3A_51 = tpu.matmul %get3A_49, %add3A_13, %dot_general3A_50 {dimension_numbers = #tpu.dot_dimension_numbers<[1], [0], [0], [1], [0, 0, 1, 1], [], []>, transpose_lhs_hint = false} : vector<256x256xf32>, vector<256x1024xf32>, vector<256x1024xf32> -> vector<256x1024xf32>
    %get3A_52 = arith.constant 256 : index
    %get3A_53 = arith.constant 0 : index
    %get3A_54 = vector.load %arg8[%get3A_52, %get3A_53] : memref<8192x1xf32, #tpu.memory_space<vmem>>, vector<256x1xf32>
    %sub3A_55 = vector.broadcast %get3A_54 : vector<256x1xf32> to vector<256x1024xf32>
    %sub3A_56 = arith.subf %sub3A_55, %dot_general3A_51 : vector<256x1024xf32>
    %reduce_min3A_57 = arith.constant dense<0x7F800000> : vector<1024xf32>
    %reduce_min3A_58 = vector.multi_reduction <minimumf>, %sub3A_56, %reduce_min3A_57 [0] : vector<256x1024xf32> to vector<1024xf32>
    %broadcast_in_dim3A_59 = vector.shape_cast %reduce_min3A_58 : vector<1024xf32> to vector<1x1024xf32>
    %iota3A_60 = tpu.iota {dimensions = array<i32: 0>} : vector<256x1024xi32>
    %convert_element_type3A_61 = arith.sitofp %iota3A_60 : vector<256x1024xi32> to vector<256x1024xf32>
    %eq3A_62 = vector.broadcast %broadcast_in_dim3A_59 : vector<1x1024xf32> to vector<256x1024xf32>
    %eq3A_63 = arith.cmpf oeq, %sub3A_56, %eq3A_62 : vector<256x1024xf32>
    %jit3A_64 = arith.constant 3.000000e+38 : f32
    %broadcast_in_dim3A_65 = vector.broadcast %jit3A_64 : f32 to vector<256x1024xf32>
    %select_n3A_66 = arith.select %eq3A_63, %convert_element_type3A_61, %broadcast_in_dim3A_65 : vector<256x1024xi1>, vector<256x1024xf32>
    %reduce_min3A_67 = arith.constant dense<0x7F800000> : vector<1024xf32>
    %reduce_min3A_68 = vector.multi_reduction <minimumf>, %select_n3A_66, %reduce_min3A_67 [0] : vector<256x1024xf32> to vector<1024xf32>
    %broadcast_in_dim3A_69 = vector.shape_cast %reduce_min3A_68 : vector<1024xf32> to vector<1x1024xf32>
    %add3A_70 = arith.constant 2.560000e+02 : f32
    %add3A_71 = vector.broadcast %add3A_70 : f32 to vector<1x1024xf32>
    %add3A_72 = arith.addf %broadcast_in_dim3A_69, %add3A_71 : vector<1x1024xf32>
    %lt3A_73 = arith.cmpf olt, %broadcast_in_dim3A_59, %select_n3A_45 : vector<1x1024xf32>
    %select_n3A_74 = arith.select %lt3A_73, %broadcast_in_dim3A_59, %select_n3A_45 : vector<1x1024xi1>, vector<1x1024xf32>
    %select_n3A_75 = arith.select %lt3A_73, %add3A_72, %select_n3A_46 : vector<1x1024xi1>, vector<1x1024xf32>
    %get3A_76 = arith.constant 512 : index
    %get3A_77 = arith.constant 0 : index
    %get3A_78 = vector.load %arg4[%get3A_76, %get3A_77] : memref<8192x256xf32, #tpu.memory_space<vmem>>, vector<256x256xf32>
    %dot_general3A_79 = arith.constant dense<0.000000e+00> : vector<256x1024xf32>
    %dot_general3A_80 = tpu.matmul %get3A_78, %add3A_13, %dot_general3A_79 {dimension_numbers = #tpu.dot_dimension_numbers<[1], [0], [0], [1], [0, 0, 1, 1], [], []>, transpose_lhs_hint = false} : vector<256x256xf32>, vector<256x1024xf32>, vector<256x1024xf32> -> vector<256x1024xf32>
    %get3A_81 = arith.constant 512 : index
    %get3A_82 = arith.constant 0 : index
    %get3A_83 = vector.load %arg8[%get3A_81, %get3A_82] : memref<8192x1xf32, #tpu.memory_space<vmem>>, vector<256x1xf32>
    %sub3A_84 = vector.broadcast %get3A_83 : vector<256x1xf32> to vector<256x1024xf32>
    %sub3A_85 = arith.subf %sub3A_84, %dot_general3A_80 : vector<256x1024xf32>
    %reduce_min3A_86 = arith.constant dense<0x7F800000> : vector<1024xf32>
    %reduce_min3A_87 = vector.multi_reduction <minimumf>, %sub3A_85, %reduce_min3A_86 [0] : vector<256x1024xf32> to vector<1024xf32>
    %broadcast_in_dim3A_88 = vector.shape_cast %reduce_min3A_87 : vector<1024xf32> to vector<1x1024xf32>
    %iota3A_89 = tpu.iota {dimensions = array<i32: 0>} : vector<256x1024xi32>
    %convert_element_type3A_90 = arith.sitofp %iota3A_89 : vector<256x1024xi32> to vector<256x1024xf32>
    %eq3A_91 = vector.broadcast %broadcast_in_dim3A_88 : vector<1x1024xf32> to vector<256x1024xf32>
    %eq3A_92 = arith.cmpf oeq, %sub3A_85, %eq3A_91 : vector<256x1024xf32>
    %jit3A_93 = arith.constant 3.000000e+38 : f32
    %broadcast_in_dim3A_94 = vector.broadcast %jit3A_93 : f32 to vector<256x1024xf32>
    %select_n3A_95 = arith.select %eq3A_92, %convert_element_type3A_90, %broadcast_in_dim3A_94 : vector<256x1024xi1>, vector<256x1024xf32>
    %reduce_min3A_96 = arith.constant dense<0x7F800000> : vector<1024xf32>
    %reduce_min3A_97 = vector.multi_reduction <minimumf>, %select_n3A_95, %reduce_min3A_96 [0] : vector<256x1024xf32> to vector<1024xf32>
    %broadcast_in_dim3A_98 = vector.shape_cast %reduce_min3A_97 : vector<1024xf32> to vector<1x1024xf32>
    %add3A_99 = arith.constant 5.120000e+02 : f32
    %add3A_100 = vector.broadcast %add3A_99 : f32 to vector<1x1024xf32>
    %add3A_101 = arith.addf %broadcast_in_dim3A_98, %add3A_100 : vector<1x1024xf32>
    %lt3A_102 = arith.cmpf olt, %broadcast_in_dim3A_88, %select_n3A_74 : vector<1x1024xf32>
    %select_n3A_103 = arith.select %lt3A_102, %broadcast_in_dim3A_88, %select_n3A_74 : vector<1x1024xi1>, vector<1x1024xf32>
    %select_n3A_104 = arith.select %lt3A_102, %add3A_101, %select_n3A_75 : vector<1x1024xi1>, vector<1x1024xf32>
    %get3A_105 = arith.constant 768 : index
    %get3A_106 = arith.constant 0 : index
    %get3A_107 = vector.load %arg4[%get3A_105, %get3A_106] : memref<8192x256xf32, #tpu.memory_space<vmem>>, vector<256x256xf32>
    %dot_general3A_108 = arith.constant dense<0.000000e+00> : vector<256x1024xf32>
    %dot_general3A_109 = tpu.matmul %get3A_107, %add3A_13, %dot_general3A_108 {dimension_numbers = #tpu.dot_dimension_numbers<[1], [0], [0], [1], [0, 0, 1, 1], [], []>, transpose_lhs_hint = false} : vector<256x256xf32>, vector<256x1024xf32>, vector<256x1024xf32> -> vector<256x1024xf32>
    %get3A_110 = arith.constant 768 : index
    %get3A_111 = arith.constant 0 : index
    %get3A_112 = vector.load %arg8[%get3A_110, %get3A_111] : memref<8192x1xf32, #tpu.memory_space<vmem>>, vector<256x1xf32>
    %sub3A_113 = vector.broadcast %get3A_112 : vector<256x1xf32> to vector<256x1024xf32>
    %sub3A_114 = arith.subf %sub3A_113, %dot_general3A_109 : vector<256x1024xf32>
    %reduce_min3A_115 = arith.constant dense<0x7F800000> : vector<1024xf32>
    %reduce_min3A_116 = vector.multi_reduction <minimumf>, %sub3A_114, %reduce_min3A_115 [0] : vector<256x1024xf32> to vector<1024xf32>
    %broadcast_in_dim3A_117 = vector.shape_cast %reduce_min3A_116 : vector<1024xf32> to vector<1x1024xf32>
    %iota3A_118 = tpu.iota {dimensions = array<i32: 0>} : vector<256x1024xi32>
    %convert_element_type3A_119 = arith.sitofp %iota3A_118 : vector<256x1024xi32> to vector<256x1024xf32>
    %eq3A_120 = vector.broadcast %broadcast_in_dim3A_117 : vector<1x1024xf32> to vector<256x1024xf32>
    %eq3A_121 = arith.cmpf oeq, %sub3A_114, %eq3A_120 : vector<256x1024xf32>
    %jit3A_122 = arith.constant 3.000000e+38 : f32
    %broadcast_in_dim3A_123 = vector.broadcast %jit3A_122 : f32 to vector<256x1024xf32>
    %select_n3A_124 = arith.select %eq3A_121, %convert_element_type3A_119, %broadcast_in_dim3A_123 : vector<256x1024xi1>, vector<256x1024xf32>
    %reduce_min3A_125 = arith.constant dense<0x7F800000> : vector<1024xf32>
    %reduce_min3A_126 = vector.multi_reduction <minimumf>, %select_n3A_124, %reduce_min3A_125 [0] : vector<256x1024xf32> to vector<1024xf32>
    %broadcast_in_dim3A_127 = vector.shape_cast %reduce_min3A_126 : vector<1024xf32> to vector<1x1024xf32>
    %add3A_128 = arith.constant 7.680000e+02 : f32
    %add3A_129 = vector.broadcast %add3A_128 : f32 to vector<1x1024xf32>
    %add3A_130 = arith.addf %broadcast_in_dim3A_127, %add3A_129 : vector<1x1024xf32>
    %lt3A_131 = arith.cmpf olt, %broadcast_in_dim3A_117, %select_n3A_103 : vector<1x1024xf32>
    %select_n3A_132 = arith.select %lt3A_131, %broadcast_in_dim3A_117, %select_n3A_103 : vector<1x1024xi1>, vector<1x1024xf32>
    %select_n3A_133 = arith.select %lt3A_131, %add3A_130, %select_n3A_104 : vector<1x1024xi1>, vector<1x1024xf32>
    %get3A_134 = arith.constant 1024 : index
    %get3A_135 = arith.constant 0 : index
    %get3A_136 = vector.load %arg4[%get3A_134, %get3A_135] : memref<8192x256xf32, #tpu.memory_space<vmem>>, vector<256x256xf32>
    %dot_general3A_137 = arith.constant dense<0.000000e+00> : vector<256x1024xf32>
    %dot_general3A_138 = tpu.matmul %get3A_136, %add3A_13, %dot_general3A_137 {dimension_numbers = #tpu.dot_dimension_numbers<[1], [0], [0], [1], [0, 0, 1, 1], [], []>, transpose_lhs_hint = false} : vector<256x256xf32>, vector<256x1024xf32>, vector<256x1024xf32> -> vector<256x1024xf32>
    %get3A_139 = arith.constant 1024 : index
    %get3A_140 = arith.constant 0 : index
    %get3A_141 = vector.load %arg8[%get3A_139, %get3A_140] : memref<8192x1xf32, #tpu.memory_space<vmem>>, vector<256x1xf32>
    %sub3A_142 = vector.broadcast %get3A_141 : vector<256x1xf32> to vector<256x1024xf32>
    %sub3A_143 = arith.subf %sub3A_142, %dot_general3A_138 : vector<256x1024xf32>
    %reduce_min3A_144 = arith.constant dense<0x7F800000> : vector<1024xf32>
    %reduce_min3A_145 = vector.multi_reduction <minimumf>, %sub3A_143, %reduce_min3A_144 [0] : vector<256x1024xf32> to vector<1024xf32>
    %broadcast_in_dim3A_146 = vector.shape_cast %reduce_min3A_145 : vector<1024xf32> to vector<1x1024xf32>
    %iota3A_147 = tpu.iota {dimensions = array<i32: 0>} : vector<256x1024xi32>
    %convert_element_type3A_148 = arith.sitofp %iota3A_147 : vector<256x1024xi32> to vector<256x1024xf32>
    %eq3A_149 = vector.broadcast %broadcast_in_dim3A_146 : vector<1x1024xf32> to vector<256x1024xf32>
    %eq3A_150 = arith.cmpf oeq, %sub3A_143, %eq3A_149 : vector<256x1024xf32>
    %jit3A_151 = arith.constant 3.000000e+38 : f32
    %broadcast_in_dim3A_152 = vector.broadcast %jit3A_151 : f32 to vector<256x1024xf32>
    %select_n3A_153 = arith.select %eq3A_150, %convert_element_type3A_148, %broadcast_in_dim3A_152 : vector<256x1024xi1>, vector<256x1024xf32>
    %reduce_min3A_154 = arith.constant dense<0x7F800000> : vector<1024xf32>
    %reduce_min3A_155 = vector.multi_reduction <minimumf>, %select_n3A_153, %reduce_min3A_154 [0] : vector<256x1024xf32> to vector<1024xf32>
    %broadcast_in_dim3A_156 = vector.shape_cast %reduce_min3A_155 : vector<1024xf32> to vector<1x1024xf32>
    %add3A_157 = arith.constant 1.024000e+03 : f32
    %add3A_158 = vector.broadcast %add3A_157 : f32 to vector<1x1024xf32>
    %add3A_159 = arith.addf %broadcast_in_dim3A_156, %add3A_158 : vector<1x1024xf32>
    %lt3A_160 = arith.cmpf olt, %broadcast_in_dim3A_146, %select_n3A_132 : vector<1x1024xf32>
    %select_n3A_161 = arith.select %lt3A_160, %broadcast_in_dim3A_146, %select_n3A_132 : vector<1x1024xi1>, vector<1x1024xf32>
    %select_n3A_162 = arith.select %lt3A_160, %add3A_159, %select_n3A_133 : vector<1x1024xi1>, vector<1x1024xf32>
    %get3A_163 = arith.constant 1280 : index
    %get3A_164 = arith.constant 0 : index
    %get3A_165 = vector.load %arg4[%get3A_163, %get3A_164] : memref<8192x256xf32, #tpu.memory_space<vmem>>, vector<256x256xf32>
    %dot_general3A_166 = arith.constant dense<0.000000e+00> : vector<256x1024xf32>
    %dot_general3A_167 = tpu.matmul %get3A_165, %add3A_13, %dot_general3A_166 {dimension_numbers = #tpu.dot_dimension_numbers<[1], [0], [0], [1], [0, 0, 1, 1], [], []>, transpose_lhs_hint = false} : vector<256x256xf32>, vector<256x1024xf32>, vector<256x1024xf32> -> vector<256x1024xf32>
    %get3A_168 = arith.constant 1280 : index
    %get3A_169 = arith.constant 0 : index
    %get3A_170 = vector.load %arg8[%get3A_168, %get3A_169] : memref<8192x1xf32, #tpu.memory_space<vmem>>, vector<256x1xf32>
    %sub3A_171 = vector.broadcast %get3A_170 : vector<256x1xf32> to vector<256x1024xf32>
    %sub3A_172 = arith.subf %sub3A_171, %dot_general3A_167 : vector<256x1024xf32>
    %reduce_min3A_173 = arith.constant dense<0x7F800000> : vector<1024xf32>
    %reduce_min3A_174 = vector.multi_reduction <minimumf>, %sub3A_172, %reduce_min3A_173 [0] : vector<256x1024xf32> to vector<1024xf32>
    %broadcast_in_dim3A_175 = vector.shape_cast %reduce_min3A_174 : vector<1024xf32> to vector<1x1024xf32>
    %iota3A_176 = tpu.iota {dimensions = array<i32: 0>} : vector<256x1024xi32>
    %convert_element_type3A_177 = arith.sitofp %iota3A_176 : vector<256x1024xi32> to vector<256x1024xf32>
    %eq3A_178 = vector.broadcast %broadcast_in_dim3A_175 : vector<1x1024xf32> to vector<256x1024xf32>
    %eq3A_179 = arith.cmpf oeq, %sub3A_172, %eq3A_178 : vector<256x1024xf32>
    %jit3A_180 = arith.constant 3.000000e+38 : f32
    %broadcast_in_dim3A_181 = vector.broadcast %jit3A_180 : f32 to vector<256x1024xf32>
    %select_n3A_182 = arith.select %eq3A_179, %convert_element_type3A_177, %broadcast_in_dim3A_181 : vector<256x1024xi1>, vector<256x1024xf32>
    %reduce_min3A_183 = arith.constant dense<0x7F800000> : vector<1024xf32>
    %reduce_min3A_184 = vector.multi_reduction <minimumf>, %select_n3A_182, %reduce_min3A_183 [0] : vector<256x1024xf32> to vector<1024xf32>
    %broadcast_in_dim3A_185 = vector.shape_cast %reduce_min3A_184 : vector<1024xf32> to vector<1x1024xf32>
    %add3A_186 = arith.constant 1.280000e+03 : f32
    %add3A_187 = vector.broadcast %add3A_186 : f32 to vector<1x1024xf32>
    %add3A_188 = arith.addf %broadcast_in_dim3A_185, %add3A_187 : vector<1x1024xf32>
    %lt3A_189 = arith.cmpf olt, %broadcast_in_dim3A_175, %select_n3A_161 : vector<1x1024xf32>
    %select_n3A_190 = arith.select %lt3A_189, %broadcast_in_dim3A_175, %select_n3A_161 : vector<1x1024xi1>, vector<1x1024xf32>
    %select_n3A_191 = arith.select %lt3A_189, %add3A_188, %select_n3A_162 : vector<1x1024xi1>, vector<1x1024xf32>
    %get3A_192 = arith.constant 1536 : index
    %get3A_193 = arith.constant 0 : index
    %get3A_194 = vector.load %arg4[%get3A_192, %get3A_193] : memref<8192x256xf32, #tpu.memory_space<vmem>>, vector<256x256xf32>
    %dot_general3A_195 = arith.constant dense<0.000000e+00> : vector<256x1024xf32>
    %dot_general3A_196 = tpu.matmul %get3A_194, %add3A_13, %dot_general3A_195 {dimension_numbers = #tpu.dot_dimension_numbers<[1], [0], [0], [1], [0, 0, 1, 1], [], []>, transpose_lhs_hint = false} : vector<256x256xf32>, vector<256x1024xf32>, vector<256x1024xf32> -> vector<256x1024xf32>
    %get3A_197 = arith.constant 1536 : index
    %get3A_198 = arith.constant 0 : index
    %get3A_199 = vector.load %arg8[%get3A_197, %get3A_198] : memref<8192x1xf32, #tpu.memory_space<vmem>>, vector<256x1xf32>
    %sub3A_200 = vector.broadcast %get3A_199 : vector<256x1xf32> to vector<256x1024xf32>
    %sub3A_201 = arith.subf %sub3A_200, %dot_general3A_196 : vector<256x1024xf32>
    %reduce_min3A_202 = arith.constant dense<0x7F800000> : vector<1024xf32>
    %reduce_min3A_203 = vector.multi_reduction <minimumf>, %sub3A_201, %reduce_min3A_202 [0] : vector<256x1024xf32> to vector<1024xf32>
    %broadcast_in_dim3A_204 = vector.shape_cast %reduce_min3A_203 : vector<1024xf32> to vector<1x1024xf32>
    %iota3A_205 = tpu.iota {dimensions = array<i32: 0>} : vector<256x1024xi32>
    %convert_element_type3A_206 = arith.sitofp %iota3A_205 : vector<256x1024xi32> to vector<256x1024xf32>
    %eq3A_207 = vector.broadcast %broadcast_in_dim3A_204 : vector<1x1024xf32> to vector<256x1024xf32>
    %eq3A_208 = arith.cmpf oeq, %sub3A_201, %eq3A_207 : vector<256x1024xf32>
    %jit3A_209 = arith.constant 3.000000e+38 : f32
    %broadcast_in_dim3A_210 = vector.broadcast %jit3A_209 : f32 to vector<256x1024xf32>
    %select_n3A_211 = arith.select %eq3A_208, %convert_element_type3A_206, %broadcast_in_dim3A_210 : vector<256x1024xi1>, vector<256x1024xf32>
    %reduce_min3A_212 = arith.constant dense<0x7F800000> : vector<1024xf32>
    %reduce_min3A_213 = vector.multi_reduction <minimumf>, %select_n3A_211, %reduce_min3A_212 [0] : vector<256x1024xf32> to vector<1024xf32>
    %broadcast_in_dim3A_214 = vector.shape_cast %reduce_min3A_213 : vector<1024xf32> to vector<1x1024xf32>
    %add3A_215 = arith.constant 1.536000e+03 : f32
    %add3A_216 = vector.broadcast %add3A_215 : f32 to vector<1x1024xf32>
    %add3A_217 = arith.addf %broadcast_in_dim3A_214, %add3A_216 : vector<1x1024xf32>
    %lt3A_218 = arith.cmpf olt, %broadcast_in_dim3A_204, %select_n3A_190 : vector<1x1024xf32>
    %select_n3A_219 = arith.select %lt3A_218, %broadcast_in_dim3A_204, %select_n3A_190 : vector<1x1024xi1>, vector<1x1024xf32>
    %select_n3A_220 = arith.select %lt3A_218, %add3A_217, %select_n3A_191 : vector<1x1024xi1>, vector<1x1024xf32>
    %get3A_221 = arith.constant 1792 : index
    %get3A_222 = arith.constant 0 : index
    %get3A_223 = vector.load %arg4[%get3A_221, %get3A_222] : memref<8192x256xf32, #tpu.memory_space<vmem>>, vector<256x256xf32>
    %dot_general3A_224 = arith.constant dense<0.000000e+00> : vector<256x1024xf32>
    %dot_general3A_225 = tpu.matmul %get3A_223, %add3A_13, %dot_general3A_224 {dimension_numbers = #tpu.dot_dimension_numbers<[1], [0], [0], [1], [0, 0, 1, 1], [], []>, transpose_lhs_hint = false} : vector<256x256xf32>, vector<256x1024xf32>, vector<256x1024xf32> -> vector<256x1024xf32>
    %get3A_226 = arith.constant 1792 : index
    %get3A_227 = arith.constant 0 : index
    %get3A_228 = vector.load %arg8[%get3A_226, %get3A_227] : memref<8192x1xf32, #tpu.memory_space<vmem>>, vector<256x1xf32>
    %sub3A_229 = vector.broadcast %get3A_228 : vector<256x1xf32> to vector<256x1024xf32>
    %sub3A_230 = arith.subf %sub3A_229, %dot_general3A_225 : vector<256x1024xf32>
    %reduce_min3A_231 = arith.constant dense<0x7F800000> : vector<1024xf32>
    %reduce_min3A_232 = vector.multi_reduction <minimumf>, %sub3A_230, %reduce_min3A_231 [0] : vector<256x1024xf32> to vector<1024xf32>
    %broadcast_in_dim3A_233 = vector.shape_cast %reduce_min3A_232 : vector<1024xf32> to vector<1x1024xf32>
    %iota3A_234 = tpu.iota {dimensions = array<i32: 0>} : vector<256x1024xi32>
    %convert_element_type3A_235 = arith.sitofp %iota3A_234 : vector<256x1024xi32> to vector<256x1024xf32>
    %eq3A_236 = vector.broadcast %broadcast_in_dim3A_233 : vector<1x1024xf32> to vector<256x1024xf32>
    %eq3A_237 = arith.cmpf oeq, %sub3A_230, %eq3A_236 : vector<256x1024xf32>
    %jit3A_238 = arith.constant 3.000000e+38 : f32
    %broadcast_in_dim3A_239 = vector.broadcast %jit3A_238 : f32 to vector<256x1024xf32>
    %select_n3A_240 = arith.select %eq3A_237, %convert_element_type3A_235, %broadcast_in_dim3A_239 : vector<256x1024xi1>, vector<256x1024xf32>
    %reduce_min3A_241 = arith.constant dense<0x7F800000> : vector<1024xf32>
    %reduce_min3A_242 = vector.multi_reduction <minimumf>, %select_n3A_240, %reduce_min3A_241 [0] : vector<256x1024xf32> to vector<1024xf32>
    %broadcast_in_dim3A_243 = vector.shape_cast %reduce_min3A_242 : vector<1024xf32> to vector<1x1024xf32>
    %add3A_244 = arith.constant 1.792000e+03 : f32
    %add3A_245 = vector.broadcast %add3A_244 : f32 to vector<1x1024xf32>
    %add3A_246 = arith.addf %broadcast_in_dim3A_243, %add3A_245 : vector<1x1024xf32>
    %lt3A_247 = arith.cmpf olt, %broadcast_in_dim3A_233, %select_n3A_219 : vector<1x1024xf32>
    %select_n3A_248 = arith.select %lt3A_247, %broadcast_in_dim3A_233, %select_n3A_219 : vector<1x1024xi1>, vector<1x1024xf32>
    %select_n3A_249 = arith.select %lt3A_247, %add3A_246, %select_n3A_220 : vector<1x1024xi1>, vector<1x1024xf32>
    %get3A_250 = arith.constant 2048 : index
    %get3A_251 = arith.constant 0 : index
    %get3A_252 = vector.load %arg4[%get3A_250, %get3A_251] : memref<8192x256xf32, #tpu.memory_space<vmem>>, vector<256x256xf32>
    %dot_general3A_253 = arith.constant dense<0.000000e+00> : vector<256x1024xf32>
    %dot_general3A_254 = tpu.matmul %get3A_252, %add3A_13, %dot_general3A_253 {dimension_numbers = #tpu.dot_dimension_numbers<[1], [0], [0], [1], [0, 0, 1, 1], [], []>, transpose_lhs_hint = false} : vector<256x256xf32>, vector<256x1024xf32>, vector<256x1024xf32> -> vector<256x1024xf32>
    %get3A_255 = arith.constant 2048 : index
    %get3A_256 = arith.constant 0 : index
    %get3A_257 = vector.load %arg8[%get3A_255, %get3A_256] : memref<8192x1xf32, #tpu.memory_space<vmem>>, vector<256x1xf32>
    %sub3A_258 = vector.broadcast %get3A_257 : vector<256x1xf32> to vector<256x1024xf32>
    %sub3A_259 = arith.subf %sub3A_258, %dot_general3A_254 : vector<256x1024xf32>
    %reduce_min3A_260 = arith.constant dense<0x7F800000> : vector<1024xf32>
    %reduce_min3A_261 = vector.multi_reduction <minimumf>, %sub3A_259, %reduce_min3A_260 [0] : vector<256x1024xf32> to vector<1024xf32>
    %broadcast_in_dim3A_262 = vector.shape_cast %reduce_min3A_261 : vector<1024xf32> to vector<1x1024xf32>
    %iota3A_263 = tpu.iota {dimensions = array<i32: 0>} : vector<256x1024xi32>
    %convert_element_type3A_264 = arith.sitofp %iota3A_263 : vector<256x1024xi32> to vector<256x1024xf32>
    %eq3A_265 = vector.broadcast %broadcast_in_dim3A_262 : vector<1x1024xf32> to vector<256x1024xf32>
    %eq3A_266 = arith.cmpf oeq, %sub3A_259, %eq3A_265 : vector<256x1024xf32>
    %jit3A_267 = arith.constant 3.000000e+38 : f32
    %broadcast_in_dim3A_268 = vector.broadcast %jit3A_267 : f32 to vector<256x1024xf32>
    %select_n3A_269 = arith.select %eq3A_266, %convert_element_type3A_264, %broadcast_in_dim3A_268 : vector<256x1024xi1>, vector<256x1024xf32>
    %reduce_min3A_270 = arith.constant dense<0x7F800000> : vector<1024xf32>
    %reduce_min3A_271 = vector.multi_reduction <minimumf>, %select_n3A_269, %reduce_min3A_270 [0] : vector<256x1024xf32> to vector<1024xf32>
    %broadcast_in_dim3A_272 = vector.shape_cast %reduce_min3A_271 : vector<1024xf32> to vector<1x1024xf32>
    %add3A_273 = arith.constant 2.048000e+03 : f32
    %add3A_274 = vector.broadcast %add3A_273 : f32 to vector<1x1024xf32>
    %add3A_275 = arith.addf %broadcast_in_dim3A_272, %add3A_274 : vector<1x1024xf32>
    %lt3A_276 = arith.cmpf olt, %broadcast_in_dim3A_262, %select_n3A_248 : vector<1x1024xf32>
    %select_n3A_277 = arith.select %lt3A_276, %broadcast_in_dim3A_262, %select_n3A_248 : vector<1x1024xi1>, vector<1x1024xf32>
    %select_n3A_278 = arith.select %lt3A_276, %add3A_275, %select_n3A_249 : vector<1x1024xi1>, vector<1x1024xf32>
    %get3A_279 = arith.constant 2304 : index
    %get3A_280 = arith.constant 0 : index
    %get3A_281 = vector.load %arg4[%get3A_279, %get3A_280] : memref<8192x256xf32, #tpu.memory_space<vmem>>, vector<256x256xf32>
    %dot_general3A_282 = arith.constant dense<0.000000e+00> : vector<256x1024xf32>
    %dot_general3A_283 = tpu.matmul %get3A_281, %add3A_13, %dot_general3A_282 {dimension_numbers = #tpu.dot_dimension_numbers<[1], [0], [0], [1], [0, 0, 1, 1], [], []>, transpose_lhs_hint = false} : vector<256x256xf32>, vector<256x1024xf32>, vector<256x1024xf32> -> vector<256x1024xf32>
    %get3A_284 = arith.constant 2304 : index
    %get3A_285 = arith.constant 0 : index
    %get3A_286 = vector.load %arg8[%get3A_284, %get3A_285] : memref<8192x1xf32, #tpu.memory_space<vmem>>, vector<256x1xf32>
    %sub3A_287 = vector.broadcast %get3A_286 : vector<256x1xf32> to vector<256x1024xf32>
    %sub3A_288 = arith.subf %sub3A_287, %dot_general3A_283 : vector<256x1024xf32>
    %reduce_min3A_289 = arith.constant dense<0x7F800000> : vector<1024xf32>
    %reduce_min3A_290 = vector.multi_reduction <minimumf>, %sub3A_288, %reduce_min3A_289 [0] : vector<256x1024xf32> to vector<1024xf32>
    %broadcast_in_dim3A_291 = vector.shape_cast %reduce_min3A_290 : vector<1024xf32> to vector<1x1024xf32>
    %iota3A_292 = tpu.iota {dimensions = array<i32: 0>} : vector<256x1024xi32>
    %convert_element_type3A_293 = arith.sitofp %iota3A_292 : vector<256x1024xi32> to vector<256x1024xf32>
    %eq3A_294 = vector.broadcast %broadcast_in_dim3A_291 : vector<1x1024xf32> to vector<256x1024xf32>
    %eq3A_295 = arith.cmpf oeq, %sub3A_288, %eq3A_294 : vector<256x1024xf32>
    %jit3A_296 = arith.constant 3.000000e+38 : f32
    %broadcast_in_dim3A_297 = vector.broadcast %jit3A_296 : f32 to vector<256x1024xf32>
    %select_n3A_298 = arith.select %eq3A_295, %convert_element_type3A_293, %broadcast_in_dim3A_297 : vector<256x1024xi1>, vector<256x1024xf32>
    %reduce_min3A_299 = arith.constant dense<0x7F800000> : vector<1024xf32>
    %reduce_min3A_300 = vector.multi_reduction <minimumf>, %select_n3A_298, %reduce_min3A_299 [0] : vector<256x1024xf32> to vector<1024xf32>
    %broadcast_in_dim3A_301 = vector.shape_cast %reduce_min3A_300 : vector<1024xf32> to vector<1x1024xf32>
    %add3A_302 = arith.constant 2.304000e+03 : f32
    %add3A_303 = vector.broadcast %add3A_302 : f32 to vector<1x1024xf32>
    %add3A_304 = arith.addf %broadcast_in_dim3A_301, %add3A_303 : vector<1x1024xf32>
    %lt3A_305 = arith.cmpf olt, %broadcast_in_dim3A_291, %select_n3A_277 : vector<1x1024xf32>
    %select_n3A_306 = arith.select %lt3A_305, %broadcast_in_dim3A_291, %select_n3A_277 : vector<1x1024xi1>, vector<1x1024xf32>
    %select_n3A_307 = arith.select %lt3A_305, %add3A_304, %select_n3A_278 : vector<1x1024xi1>, vector<1x1024xf32>
    %get3A_308 = arith.constant 2560 : index
    %get3A_309 = arith.constant 0 : index
    %get3A_310 = vector.load %arg4[%get3A_308, %get3A_309] : memref<8192x256xf32, #tpu.memory_space<vmem>>, vector<256x256xf32>
    %dot_general3A_311 = arith.constant dense<0.000000e+00> : vector<256x1024xf32>
    %dot_general3A_312 = tpu.matmul %get3A_310, %add3A_13, %dot_general3A_311 {dimension_numbers = #tpu.dot_dimension_numbers<[1], [0], [0], [1], [0, 0, 1, 1], [], []>, transpose_lhs_hint = false} : vector<256x256xf32>, vector<256x1024xf32>, vector<256x1024xf32> -> vector<256x1024xf32>
    %get3A_313 = arith.constant 2560 : index
    %get3A_314 = arith.constant 0 : index
    %get3A_315 = vector.load %arg8[%get3A_313, %get3A_314] : memref<8192x1xf32, #tpu.memory_space<vmem>>, vector<256x1xf32>
    %sub3A_316 = vector.broadcast %get3A_315 : vector<256x1xf32> to vector<256x1024xf32>
    %sub3A_317 = arith.subf %sub3A_316, %dot_general3A_312 : vector<256x1024xf32>
    %reduce_min3A_318 = arith.constant dense<0x7F800000> : vector<1024xf32>
    %reduce_min3A_319 = vector.multi_reduction <minimumf>, %sub3A_317, %reduce_min3A_318 [0] : vector<256x1024xf32> to vector<1024xf32>
    %broadcast_in_dim3A_320 = vector.shape_cast %reduce_min3A_319 : vector<1024xf32> to vector<1x1024xf32>
    %iota3A_321 = tpu.iota {dimensions = array<i32: 0>} : vector<256x1024xi32>
    %convert_element_type3A_322 = arith.sitofp %iota3A_321 : vector<256x1024xi32> to vector<256x1024xf32>
    %eq3A_323 = vector.broadcast %broadcast_in_dim3A_320 : vector<1x1024xf32> to vector<256x1024xf32>
    %eq3A_324 = arith.cmpf oeq, %sub3A_317, %eq3A_323 : vector<256x1024xf32>
    %jit3A_325 = arith.constant 3.000000e+38 : f32
    %broadcast_in_dim3A_326 = vector.broadcast %jit3A_325 : f32 to vector<256x1024xf32>
    %select_n3A_327 = arith.select %eq3A_324, %convert_element_type3A_322, %broadcast_in_dim3A_326 : vector<256x1024xi1>, vector<256x1024xf32>
    %reduce_min3A_328 = arith.constant dense<0x7F800000> : vector<1024xf32>
    %reduce_min3A_329 = vector.multi_reduction <minimumf>, %select_n3A_327, %reduce_min3A_328 [0] : vector<256x1024xf32> to vector<1024xf32>
    %broadcast_in_dim3A_330 = vector.shape_cast %reduce_min3A_329 : vector<1024xf32> to vector<1x1024xf32>
    %add3A_331 = arith.constant 2.560000e+03 : f32
    %add3A_332 = vector.broadcast %add3A_331 : f32 to vector<1x1024xf32>
    %add3A_333 = arith.addf %broadcast_in_dim3A_330, %add3A_332 : vector<1x1024xf32>
    %lt3A_334 = arith.cmpf olt, %broadcast_in_dim3A_320, %select_n3A_306 : vector<1x1024xf32>
    %select_n3A_335 = arith.select %lt3A_334, %broadcast_in_dim3A_320, %select_n3A_306 : vector<1x1024xi1>, vector<1x1024xf32>
    %select_n3A_336 = arith.select %lt3A_334, %add3A_333, %select_n3A_307 : vector<1x1024xi1>, vector<1x1024xf32>
    %get3A_337 = arith.constant 2816 : index
    %get3A_338 = arith.constant 0 : index
    %get3A_339 = vector.load %arg4[%get3A_337, %get3A_338] : memref<8192x256xf32, #tpu.memory_space<vmem>>, vector<256x256xf32>
    %dot_general3A_340 = arith.constant dense<0.000000e+00> : vector<256x1024xf32>
    %dot_general3A_341 = tpu.matmul %get3A_339, %add3A_13, %dot_general3A_340 {dimension_numbers = #tpu.dot_dimension_numbers<[1], [0], [0], [1], [0, 0, 1, 1], [], []>, transpose_lhs_hint = false} : vector<256x256xf32>, vector<256x1024xf32>, vector<256x1024xf32> -> vector<256x1024xf32>
    %get3A_342 = arith.constant 2816 : index
    %get3A_343 = arith.constant 0 : index
    %get3A_344 = vector.load %arg8[%get3A_342, %get3A_343] : memref<8192x1xf32, #tpu.memory_space<vmem>>, vector<256x1xf32>
    %sub3A_345 = vector.broadcast %get3A_344 : vector<256x1xf32> to vector<256x1024xf32>
    %sub3A_346 = arith.subf %sub3A_345, %dot_general3A_341 : vector<256x1024xf32>
    %reduce_min3A_347 = arith.constant dense<0x7F800000> : vector<1024xf32>
    %reduce_min3A_348 = vector.multi_reduction <minimumf>, %sub3A_346, %reduce_min3A_347 [0] : vector<256x1024xf32> to vector<1024xf32>
    %broadcast_in_dim3A_349 = vector.shape_cast %reduce_min3A_348 : vector<1024xf32> to vector<1x1024xf32>
    %iota3A_350 = tpu.iota {dimensions = array<i32: 0>} : vector<256x1024xi32>
    %convert_element_type3A_351 = arith.sitofp %iota3A_350 : vector<256x1024xi32> to vector<256x1024xf32>
    %eq3A_352 = vector.broadcast %broadcast_in_dim3A_349 : vector<1x1024xf32> to vector<256x1024xf32>
    %eq3A_353 = arith.cmpf oeq, %sub3A_346, %eq3A_352 : vector<256x1024xf32>
    %jit3A_354 = arith.constant 3.000000e+38 : f32
    %broadcast_in_dim3A_355 = vector.broadcast %jit3A_354 : f32 to vector<256x1024xf32>
    %select_n3A_356 = arith.select %eq3A_353, %convert_element_type3A_351, %broadcast_in_dim3A_355 : vector<256x1024xi1>, vector<256x1024xf32>
    %reduce_min3A_357 = arith.constant dense<0x7F800000> : vector<1024xf32>
    %reduce_min3A_358 = vector.multi_reduction <minimumf>, %select_n3A_356, %reduce_min3A_357 [0] : vector<256x1024xf32> to vector<1024xf32>
    %broadcast_in_dim3A_359 = vector.shape_cast %reduce_min3A_358 : vector<1024xf32> to vector<1x1024xf32>
    %add3A_360 = arith.constant 2.816000e+03 : f32
    %add3A_361 = vector.broadcast %add3A_360 : f32 to vector<1x1024xf32>
    %add3A_362 = arith.addf %broadcast_in_dim3A_359, %add3A_361 : vector<1x1024xf32>
    %lt3A_363 = arith.cmpf olt, %broadcast_in_dim3A_349, %select_n3A_335 : vector<1x1024xf32>
    %select_n3A_364 = arith.select %lt3A_363, %broadcast_in_dim3A_349, %select_n3A_335 : vector<1x1024xi1>, vector<1x1024xf32>
    %select_n3A_365 = arith.select %lt3A_363, %add3A_362, %select_n3A_336 : vector<1x1024xi1>, vector<1x1024xf32>
    %get3A_366 = arith.constant 3072 : index
    %get3A_367 = arith.constant 0 : index
    %get3A_368 = vector.load %arg4[%get3A_366, %get3A_367] : memref<8192x256xf32, #tpu.memory_space<vmem>>, vector<256x256xf32>
    %dot_general3A_369 = arith.constant dense<0.000000e+00> : vector<256x1024xf32>
    %dot_general3A_370 = tpu.matmul %get3A_368, %add3A_13, %dot_general3A_369 {dimension_numbers = #tpu.dot_dimension_numbers<[1], [0], [0], [1], [0, 0, 1, 1], [], []>, transpose_lhs_hint = false} : vector<256x256xf32>, vector<256x1024xf32>, vector<256x1024xf32> -> vector<256x1024xf32>
    %get3A_371 = arith.constant 3072 : index
    %get3A_372 = arith.constant 0 : index
    %get3A_373 = vector.load %arg8[%get3A_371, %get3A_372] : memref<8192x1xf32, #tpu.memory_space<vmem>>, vector<256x1xf32>
    %sub3A_374 = vector.broadcast %get3A_373 : vector<256x1xf32> to vector<256x1024xf32>
    %sub3A_375 = arith.subf %sub3A_374, %dot_general3A_370 : vector<256x1024xf32>
    %reduce_min3A_376 = arith.constant dense<0x7F800000> : vector<1024xf32>
    %reduce_min3A_377 = vector.multi_reduction <minimumf>, %sub3A_375, %reduce_min3A_376 [0] : vector<256x1024xf32> to vector<1024xf32>
    %broadcast_in_dim3A_378 = vector.shape_cast %reduce_min3A_377 : vector<1024xf32> to vector<1x1024xf32>
    %iota3A_379 = tpu.iota {dimensions = array<i32: 0>} : vector<256x1024xi32>
    %convert_element_type3A_380 = arith.sitofp %iota3A_379 : vector<256x1024xi32> to vector<256x1024xf32>
    %eq3A_381 = vector.broadcast %broadcast_in_dim3A_378 : vector<1x1024xf32> to vector<256x1024xf32>
    %eq3A_382 = arith.cmpf oeq, %sub3A_375, %eq3A_381 : vector<256x1024xf32>
    %jit3A_383 = arith.constant 3.000000e+38 : f32
    %broadcast_in_dim3A_384 = vector.broadcast %jit3A_383 : f32 to vector<256x1024xf32>
    %select_n3A_385 = arith.select %eq3A_382, %convert_element_type3A_380, %broadcast_in_dim3A_384 : vector<256x1024xi1>, vector<256x1024xf32>
    %reduce_min3A_386 = arith.constant dense<0x7F800000> : vector<1024xf32>
    %reduce_min3A_387 = vector.multi_reduction <minimumf>, %select_n3A_385, %reduce_min3A_386 [0] : vector<256x1024xf32> to vector<1024xf32>
    %broadcast_in_dim3A_388 = vector.shape_cast %reduce_min3A_387 : vector<1024xf32> to vector<1x1024xf32>
    %add3A_389 = arith.constant 3.072000e+03 : f32
    %add3A_390 = vector.broadcast %add3A_389 : f32 to vector<1x1024xf32>
    %add3A_391 = arith.addf %broadcast_in_dim3A_388, %add3A_390 : vector<1x1024xf32>
    %lt3A_392 = arith.cmpf olt, %broadcast_in_dim3A_378, %select_n3A_364 : vector<1x1024xf32>
    %select_n3A_393 = arith.select %lt3A_392, %broadcast_in_dim3A_378, %select_n3A_364 : vector<1x1024xi1>, vector<1x1024xf32>
    %select_n3A_394 = arith.select %lt3A_392, %add3A_391, %select_n3A_365 : vector<1x1024xi1>, vector<1x1024xf32>
    %get3A_395 = arith.constant 3328 : index
    %get3A_396 = arith.constant 0 : index
    %get3A_397 = vector.load %arg4[%get3A_395, %get3A_396] : memref<8192x256xf32, #tpu.memory_space<vmem>>, vector<256x256xf32>
    %dot_general3A_398 = arith.constant dense<0.000000e+00> : vector<256x1024xf32>
    %dot_general3A_399 = tpu.matmul %get3A_397, %add3A_13, %dot_general3A_398 {dimension_numbers = #tpu.dot_dimension_numbers<[1], [0], [0], [1], [0, 0, 1, 1], [], []>, transpose_lhs_hint = false} : vector<256x256xf32>, vector<256x1024xf32>, vector<256x1024xf32> -> vector<256x1024xf32>
    %get3A_400 = arith.constant 3328 : index
    %get3A_401 = arith.constant 0 : index
    %get3A_402 = vector.load %arg8[%get3A_400, %get3A_401] : memref<8192x1xf32, #tpu.memory_space<vmem>>, vector<256x1xf32>
    %sub3A_403 = vector.broadcast %get3A_402 : vector<256x1xf32> to vector<256x1024xf32>
    %sub3A_404 = arith.subf %sub3A_403, %dot_general3A_399 : vector<256x1024xf32>
    %reduce_min3A_405 = arith.constant dense<0x7F800000> : vector<1024xf32>
    %reduce_min3A_406 = vector.multi_reduction <minimumf>, %sub3A_404, %reduce_min3A_405 [0] : vector<256x1024xf32> to vector<1024xf32>
    %broadcast_in_dim3A_407 = vector.shape_cast %reduce_min3A_406 : vector<1024xf32> to vector<1x1024xf32>
    %iota3A_408 = tpu.iota {dimensions = array<i32: 0>} : vector<256x1024xi32>
    %convert_element_type3A_409 = arith.sitofp %iota3A_408 : vector<256x1024xi32> to vector<256x1024xf32>
    %eq3A_410 = vector.broadcast %broadcast_in_dim3A_407 : vector<1x1024xf32> to vector<256x1024xf32>
    %eq3A_411 = arith.cmpf oeq, %sub3A_404, %eq3A_410 : vector<256x1024xf32>
    %jit3A_412 = arith.constant 3.000000e+38 : f32
    %broadcast_in_dim3A_413 = vector.broadcast %jit3A_412 : f32 to vector<256x1024xf32>
    %select_n3A_414 = arith.select %eq3A_411, %convert_element_type3A_409, %broadcast_in_dim3A_413 : vector<256x1024xi1>, vector<256x1024xf32>
    %reduce_min3A_415 = arith.constant dense<0x7F800000> : vector<1024xf32>
    %reduce_min3A_416 = vector.multi_reduction <minimumf>, %select_n3A_414, %reduce_min3A_415 [0] : vector<256x1024xf32> to vector<1024xf32>
    %broadcast_in_dim3A_417 = vector.shape_cast %reduce_min3A_416 : vector<1024xf32> to vector<1x1024xf32>
    %add3A_418 = arith.constant 3.328000e+03 : f32
    %add3A_419 = vector.broadcast %add3A_418 : f32 to vector<1x1024xf32>
    %add3A_420 = arith.addf %broadcast_in_dim3A_417, %add3A_419 : vector<1x1024xf32>
    %lt3A_421 = arith.cmpf olt, %broadcast_in_dim3A_407, %select_n3A_393 : vector<1x1024xf32>
    %select_n3A_422 = arith.select %lt3A_421, %broadcast_in_dim3A_407, %select_n3A_393 : vector<1x1024xi1>, vector<1x1024xf32>
    %select_n3A_423 = arith.select %lt3A_421, %add3A_420, %select_n3A_394 : vector<1x1024xi1>, vector<1x1024xf32>
    %get3A_424 = arith.constant 3584 : index
    %get3A_425 = arith.constant 0 : index
    %get3A_426 = vector.load %arg4[%get3A_424, %get3A_425] : memref<8192x256xf32, #tpu.memory_space<vmem>>, vector<256x256xf32>
    %dot_general3A_427 = arith.constant dense<0.000000e+00> : vector<256x1024xf32>
    %dot_general3A_428 = tpu.matmul %get3A_426, %add3A_13, %dot_general3A_427 {dimension_numbers = #tpu.dot_dimension_numbers<[1], [0], [0], [1], [0, 0, 1, 1], [], []>, transpose_lhs_hint = false} : vector<256x256xf32>, vector<256x1024xf32>, vector<256x1024xf32> -> vector<256x1024xf32>
    %get3A_429 = arith.constant 3584 : index
    %get3A_430 = arith.constant 0 : index
    %get3A_431 = vector.load %arg8[%get3A_429, %get3A_430] : memref<8192x1xf32, #tpu.memory_space<vmem>>, vector<256x1xf32>
    %sub3A_432 = vector.broadcast %get3A_431 : vector<256x1xf32> to vector<256x1024xf32>
    %sub3A_433 = arith.subf %sub3A_432, %dot_general3A_428 : vector<256x1024xf32>
    %reduce_min3A_434 = arith.constant dense<0x7F800000> : vector<1024xf32>
    %reduce_min3A_435 = vector.multi_reduction <minimumf>, %sub3A_433, %reduce_min3A_434 [0] : vector<256x1024xf32> to vector<1024xf32>
    %broadcast_in_dim3A_436 = vector.shape_cast %reduce_min3A_435 : vector<1024xf32> to vector<1x1024xf32>
    %iota3A_437 = tpu.iota {dimensions = array<i32: 0>} : vector<256x1024xi32>
    %convert_element_type3A_438 = arith.sitofp %iota3A_437 : vector<256x1024xi32> to vector<256x1024xf32>
    %eq3A_439 = vector.broadcast %broadcast_in_dim3A_436 : vector<1x1024xf32> to vector<256x1024xf32>
    %eq3A_440 = arith.cmpf oeq, %sub3A_433, %eq3A_439 : vector<256x1024xf32>
    %jit3A_441 = arith.constant 3.000000e+38 : f32
    %broadcast_in_dim3A_442 = vector.broadcast %jit3A_441 : f32 to vector<256x1024xf32>
    %select_n3A_443 = arith.select %eq3A_440, %convert_element_type3A_438, %broadcast_in_dim3A_442 : vector<256x1024xi1>, vector<256x1024xf32>
    %reduce_min3A_444 = arith.constant dense<0x7F800000> : vector<1024xf32>
    %reduce_min3A_445 = vector.multi_reduction <minimumf>, %select_n3A_443, %reduce_min3A_444 [0] : vector<256x1024xf32> to vector<1024xf32>
    %broadcast_in_dim3A_446 = vector.shape_cast %reduce_min3A_445 : vector<1024xf32> to vector<1x1024xf32>
    %add3A_447 = arith.constant 3.584000e+03 : f32
    %add3A_448 = vector.broadcast %add3A_447 : f32 to vector<1x1024xf32>
    %add3A_449 = arith.addf %broadcast_in_dim3A_446, %add3A_448 : vector<1x1024xf32>
    %lt3A_450 = arith.cmpf olt, %broadcast_in_dim3A_436, %select_n3A_422 : vector<1x1024xf32>
    %select_n3A_451 = arith.select %lt3A_450, %broadcast_in_dim3A_436, %select_n3A_422 : vector<1x1024xi1>, vector<1x1024xf32>
    %select_n3A_452 = arith.select %lt3A_450, %add3A_449, %select_n3A_423 : vector<1x1024xi1>, vector<1x1024xf32>
    %get3A_453 = arith.constant 3840 : index
    %get3A_454 = arith.constant 0 : index
    %get3A_455 = vector.load %arg4[%get3A_453, %get3A_454] : memref<8192x256xf32, #tpu.memory_space<vmem>>, vector<256x256xf32>
    %dot_general3A_456 = arith.constant dense<0.000000e+00> : vector<256x1024xf32>
    %dot_general3A_457 = tpu.matmul %get3A_455, %add3A_13, %dot_general3A_456 {dimension_numbers = #tpu.dot_dimension_numbers<[1], [0], [0], [1], [0, 0, 1, 1], [], []>, transpose_lhs_hint = false} : vector<256x256xf32>, vector<256x1024xf32>, vector<256x1024xf32> -> vector<256x1024xf32>
    %get3A_458 = arith.constant 3840 : index
    %get3A_459 = arith.constant 0 : index
    %get3A_460 = vector.load %arg8[%get3A_458, %get3A_459] : memref<8192x1xf32, #tpu.memory_space<vmem>>, vector<256x1xf32>
    %sub3A_461 = vector.broadcast %get3A_460 : vector<256x1xf32> to vector<256x1024xf32>
    %sub3A_462 = arith.subf %sub3A_461, %dot_general3A_457 : vector<256x1024xf32>
    %reduce_min3A_463 = arith.constant dense<0x7F800000> : vector<1024xf32>
    %reduce_min3A_464 = vector.multi_reduction <minimumf>, %sub3A_462, %reduce_min3A_463 [0] : vector<256x1024xf32> to vector<1024xf32>
    %broadcast_in_dim3A_465 = vector.shape_cast %reduce_min3A_464 : vector<1024xf32> to vector<1x1024xf32>
    %iota3A_466 = tpu.iota {dimensions = array<i32: 0>} : vector<256x1024xi32>
    %convert_element_type3A_467 = arith.sitofp %iota3A_466 : vector<256x1024xi32> to vector<256x1024xf32>
    %eq3A_468 = vector.broadcast %broadcast_in_dim3A_465 : vector<1x1024xf32> to vector<256x1024xf32>
    %eq3A_469 = arith.cmpf oeq, %sub3A_462, %eq3A_468 : vector<256x1024xf32>
    %jit3A_470 = arith.constant 3.000000e+38 : f32
    %broadcast_in_dim3A_471 = vector.broadcast %jit3A_470 : f32 to vector<256x1024xf32>
    %select_n3A_472 = arith.select %eq3A_469, %convert_element_type3A_467, %broadcast_in_dim3A_471 : vector<256x1024xi1>, vector<256x1024xf32>
    %reduce_min3A_473 = arith.constant dense<0x7F800000> : vector<1024xf32>
    %reduce_min3A_474 = vector.multi_reduction <minimumf>, %select_n3A_472, %reduce_min3A_473 [0] : vector<256x1024xf32> to vector<1024xf32>
    %broadcast_in_dim3A_475 = vector.shape_cast %reduce_min3A_474 : vector<1024xf32> to vector<1x1024xf32>
    %add3A_476 = arith.constant 3.840000e+03 : f32
    %add3A_477 = vector.broadcast %add3A_476 : f32 to vector<1x1024xf32>
    %add3A_478 = arith.addf %broadcast_in_dim3A_475, %add3A_477 : vector<1x1024xf32>
    %lt3A_479 = arith.cmpf olt, %broadcast_in_dim3A_465, %select_n3A_451 : vector<1x1024xf32>
    %select_n3A_480 = arith.select %lt3A_479, %broadcast_in_dim3A_465, %select_n3A_451 : vector<1x1024xi1>, vector<1x1024xf32>
    %select_n3A_481 = arith.select %lt3A_479, %add3A_478, %select_n3A_452 : vector<1x1024xi1>, vector<1x1024xf32>
    %get3A_482 = arith.constant 4096 : index
    %get3A_483 = arith.constant 0 : index
    %get3A_484 = vector.load %arg4[%get3A_482, %get3A_483] : memref<8192x256xf32, #tpu.memory_space<vmem>>, vector<256x256xf32>
    %dot_general3A_485 = arith.constant dense<0.000000e+00> : vector<256x1024xf32>
    %dot_general3A_486 = tpu.matmul %get3A_484, %add3A_13, %dot_general3A_485 {dimension_numbers = #tpu.dot_dimension_numbers<[1], [0], [0], [1], [0, 0, 1, 1], [], []>, transpose_lhs_hint = false} : vector<256x256xf32>, vector<256x1024xf32>, vector<256x1024xf32> -> vector<256x1024xf32>
    %get3A_487 = arith.constant 4096 : index
    %get3A_488 = arith.constant 0 : index
    %get3A_489 = vector.load %arg8[%get3A_487, %get3A_488] : memref<8192x1xf32, #tpu.memory_space<vmem>>, vector<256x1xf32>
    %sub3A_490 = vector.broadcast %get3A_489 : vector<256x1xf32> to vector<256x1024xf32>
    %sub3A_491 = arith.subf %sub3A_490, %dot_general3A_486 : vector<256x1024xf32>
    %reduce_min3A_492 = arith.constant dense<0x7F800000> : vector<1024xf32>
    %reduce_min3A_493 = vector.multi_reduction <minimumf>, %sub3A_491, %reduce_min3A_492 [0] : vector<256x1024xf32> to vector<1024xf32>
    %broadcast_in_dim3A_494 = vector.shape_cast %reduce_min3A_493 : vector<1024xf32> to vector<1x1024xf32>
    %iota3A_495 = tpu.iota {dimensions = array<i32: 0>} : vector<256x1024xi32>
    %convert_element_type3A_496 = arith.sitofp %iota3A_495 : vector<256x1024xi32> to vector<256x1024xf32>
    %eq3A_497 = vector.broadcast %broadcast_in_dim3A_494 : vector<1x1024xf32> to vector<256x1024xf32>
    %eq3A_498 = arith.cmpf oeq, %sub3A_491, %eq3A_497 : vector<256x1024xf32>
    %jit3A_499 = arith.constant 3.000000e+38 : f32
    %broadcast_in_dim3A_500 = vector.broadcast %jit3A_499 : f32 to vector<256x1024xf32>
    %select_n3A_501 = arith.select %eq3A_498, %convert_element_type3A_496, %broadcast_in_dim3A_500 : vector<256x1024xi1>, vector<256x1024xf32>
    %reduce_min3A_502 = arith.constant dense<0x7F800000> : vector<1024xf32>
    %reduce_min3A_503 = vector.multi_reduction <minimumf>, %select_n3A_501, %reduce_min3A_502 [0] : vector<256x1024xf32> to vector<1024xf32>
    %broadcast_in_dim3A_504 = vector.shape_cast %reduce_min3A_503 : vector<1024xf32> to vector<1x1024xf32>
    %add3A_505 = arith.constant 4.096000e+03 : f32
    %add3A_506 = vector.broadcast %add3A_505 : f32 to vector<1x1024xf32>
    %add3A_507 = arith.addf %broadcast_in_dim3A_504, %add3A_506 : vector<1x1024xf32>
    %lt3A_508 = arith.cmpf olt, %broadcast_in_dim3A_494, %select_n3A_480 : vector<1x1024xf32>
    %select_n3A_509 = arith.select %lt3A_508, %broadcast_in_dim3A_494, %select_n3A_480 : vector<1x1024xi1>, vector<1x1024xf32>
    %select_n3A_510 = arith.select %lt3A_508, %add3A_507, %select_n3A_481 : vector<1x1024xi1>, vector<1x1024xf32>
    %get3A_511 = arith.constant 4352 : index
    %get3A_512 = arith.constant 0 : index
    %get3A_513 = vector.load %arg4[%get3A_511, %get3A_512] : memref<8192x256xf32, #tpu.memory_space<vmem>>, vector<256x256xf32>
    %dot_general3A_514 = arith.constant dense<0.000000e+00> : vector<256x1024xf32>
    %dot_general3A_515 = tpu.matmul %get3A_513, %add3A_13, %dot_general3A_514 {dimension_numbers = #tpu.dot_dimension_numbers<[1], [0], [0], [1], [0, 0, 1, 1], [], []>, transpose_lhs_hint = false} : vector<256x256xf32>, vector<256x1024xf32>, vector<256x1024xf32> -> vector<256x1024xf32>
    %get3A_516 = arith.constant 4352 : index
    %get3A_517 = arith.constant 0 : index
    %get3A_518 = vector.load %arg8[%get3A_516, %get3A_517] : memref<8192x1xf32, #tpu.memory_space<vmem>>, vector<256x1xf32>
    %sub3A_519 = vector.broadcast %get3A_518 : vector<256x1xf32> to vector<256x1024xf32>
    %sub3A_520 = arith.subf %sub3A_519, %dot_general3A_515 : vector<256x1024xf32>
    %reduce_min3A_521 = arith.constant dense<0x7F800000> : vector<1024xf32>
    %reduce_min3A_522 = vector.multi_reduction <minimumf>, %sub3A_520, %reduce_min3A_521 [0] : vector<256x1024xf32> to vector<1024xf32>
    %broadcast_in_dim3A_523 = vector.shape_cast %reduce_min3A_522 : vector<1024xf32> to vector<1x1024xf32>
    %iota3A_524 = tpu.iota {dimensions = array<i32: 0>} : vector<256x1024xi32>
    %convert_element_type3A_525 = arith.sitofp %iota3A_524 : vector<256x1024xi32> to vector<256x1024xf32>
    %eq3A_526 = vector.broadcast %broadcast_in_dim3A_523 : vector<1x1024xf32> to vector<256x1024xf32>
    %eq3A_527 = arith.cmpf oeq, %sub3A_520, %eq3A_526 : vector<256x1024xf32>
    %jit3A_528 = arith.constant 3.000000e+38 : f32
    %broadcast_in_dim3A_529 = vector.broadcast %jit3A_528 : f32 to vector<256x1024xf32>
    %select_n3A_530 = arith.select %eq3A_527, %convert_element_type3A_525, %broadcast_in_dim3A_529 : vector<256x1024xi1>, vector<256x1024xf32>
    %reduce_min3A_531 = arith.constant dense<0x7F800000> : vector<1024xf32>
    %reduce_min3A_532 = vector.multi_reduction <minimumf>, %select_n3A_530, %reduce_min3A_531 [0] : vector<256x1024xf32> to vector<1024xf32>
    %broadcast_in_dim3A_533 = vector.shape_cast %reduce_min3A_532 : vector<1024xf32> to vector<1x1024xf32>
    %add3A_534 = arith.constant 4.352000e+03 : f32
    %add3A_535 = vector.broadcast %add3A_534 : f32 to vector<1x1024xf32>
    %add3A_536 = arith.addf %broadcast_in_dim3A_533, %add3A_535 : vector<1x1024xf32>
    %lt3A_537 = arith.cmpf olt, %broadcast_in_dim3A_523, %select_n3A_509 : vector<1x1024xf32>
    %select_n3A_538 = arith.select %lt3A_537, %broadcast_in_dim3A_523, %select_n3A_509 : vector<1x1024xi1>, vector<1x1024xf32>
    %select_n3A_539 = arith.select %lt3A_537, %add3A_536, %select_n3A_510 : vector<1x1024xi1>, vector<1x1024xf32>
    %get3A_540 = arith.constant 4608 : index
    %get3A_541 = arith.constant 0 : index
    %get3A_542 = vector.load %arg4[%get3A_540, %get3A_541] : memref<8192x256xf32, #tpu.memory_space<vmem>>, vector<256x256xf32>
    %dot_general3A_543 = arith.constant dense<0.000000e+00> : vector<256x1024xf32>
    %dot_general3A_544 = tpu.matmul %get3A_542, %add3A_13, %dot_general3A_543 {dimension_numbers = #tpu.dot_dimension_numbers<[1], [0], [0], [1], [0, 0, 1, 1], [], []>, transpose_lhs_hint = false} : vector<256x256xf32>, vector<256x1024xf32>, vector<256x1024xf32> -> vector<256x1024xf32>
    %get3A_545 = arith.constant 4608 : index
    %get3A_546 = arith.constant 0 : index
    %get3A_547 = vector.load %arg8[%get3A_545, %get3A_546] : memref<8192x1xf32, #tpu.memory_space<vmem>>, vector<256x1xf32>
    %sub3A_548 = vector.broadcast %get3A_547 : vector<256x1xf32> to vector<256x1024xf32>
    %sub3A_549 = arith.subf %sub3A_548, %dot_general3A_544 : vector<256x1024xf32>
    %reduce_min3A_550 = arith.constant dense<0x7F800000> : vector<1024xf32>
    %reduce_min3A_551 = vector.multi_reduction <minimumf>, %sub3A_549, %reduce_min3A_550 [0] : vector<256x1024xf32> to vector<1024xf32>
    %broadcast_in_dim3A_552 = vector.shape_cast %reduce_min3A_551 : vector<1024xf32> to vector<1x1024xf32>
    %iota3A_553 = tpu.iota {dimensions = array<i32: 0>} : vector<256x1024xi32>
    %convert_element_type3A_554 = arith.sitofp %iota3A_553 : vector<256x1024xi32> to vector<256x1024xf32>
    %eq3A_555 = vector.broadcast %broadcast_in_dim3A_552 : vector<1x1024xf32> to vector<256x1024xf32>
    %eq3A_556 = arith.cmpf oeq, %sub3A_549, %eq3A_555 : vector<256x1024xf32>
    %jit3A_557 = arith.constant 3.000000e+38 : f32
    %broadcast_in_dim3A_558 = vector.broadcast %jit3A_557 : f32 to vector<256x1024xf32>
    %select_n3A_559 = arith.select %eq3A_556, %convert_element_type3A_554, %broadcast_in_dim3A_558 : vector<256x1024xi1>, vector<256x1024xf32>
    %reduce_min3A_560 = arith.constant dense<0x7F800000> : vector<1024xf32>
    %reduce_min3A_561 = vector.multi_reduction <minimumf>, %select_n3A_559, %reduce_min3A_560 [0] : vector<256x1024xf32> to vector<1024xf32>
    %broadcast_in_dim3A_562 = vector.shape_cast %reduce_min3A_561 : vector<1024xf32> to vector<1x1024xf32>
    %add3A_563 = arith.constant 4.608000e+03 : f32
    %add3A_564 = vector.broadcast %add3A_563 : f32 to vector<1x1024xf32>
    %add3A_565 = arith.addf %broadcast_in_dim3A_562, %add3A_564 : vector<1x1024xf32>
    %lt3A_566 = arith.cmpf olt, %broadcast_in_dim3A_552, %select_n3A_538 : vector<1x1024xf32>
    %select_n3A_567 = arith.select %lt3A_566, %broadcast_in_dim3A_552, %select_n3A_538 : vector<1x1024xi1>, vector<1x1024xf32>
    %select_n3A_568 = arith.select %lt3A_566, %add3A_565, %select_n3A_539 : vector<1x1024xi1>, vector<1x1024xf32>
    %get3A_569 = arith.constant 4864 : index
    %get3A_570 = arith.constant 0 : index
    %get3A_571 = vector.load %arg4[%get3A_569, %get3A_570] : memref<8192x256xf32, #tpu.memory_space<vmem>>, vector<256x256xf32>
    %dot_general3A_572 = arith.constant dense<0.000000e+00> : vector<256x1024xf32>
    %dot_general3A_573 = tpu.matmul %get3A_571, %add3A_13, %dot_general3A_572 {dimension_numbers = #tpu.dot_dimension_numbers<[1], [0], [0], [1], [0, 0, 1, 1], [], []>, transpose_lhs_hint = false} : vector<256x256xf32>, vector<256x1024xf32>, vector<256x1024xf32> -> vector<256x1024xf32>
    %get3A_574 = arith.constant 4864 : index
    %get3A_575 = arith.constant 0 : index
    %get3A_576 = vector.load %arg8[%get3A_574, %get3A_575] : memref<8192x1xf32, #tpu.memory_space<vmem>>, vector<256x1xf32>
    %sub3A_577 = vector.broadcast %get3A_576 : vector<256x1xf32> to vector<256x1024xf32>
    %sub3A_578 = arith.subf %sub3A_577, %dot_general3A_573 : vector<256x1024xf32>
    %reduce_min3A_579 = arith.constant dense<0x7F800000> : vector<1024xf32>
    %reduce_min3A_580 = vector.multi_reduction <minimumf>, %sub3A_578, %reduce_min3A_579 [0] : vector<256x1024xf32> to vector<1024xf32>
    %broadcast_in_dim3A_581 = vector.shape_cast %reduce_min3A_580 : vector<1024xf32> to vector<1x1024xf32>
    %iota3A_582 = tpu.iota {dimensions = array<i32: 0>} : vector<256x1024xi32>
    %convert_element_type3A_583 = arith.sitofp %iota3A_582 : vector<256x1024xi32> to vector<256x1024xf32>
    %eq3A_584 = vector.broadcast %broadcast_in_dim3A_581 : vector<1x1024xf32> to vector<256x1024xf32>
    %eq3A_585 = arith.cmpf oeq, %sub3A_578, %eq3A_584 : vector<256x1024xf32>
    %jit3A_586 = arith.constant 3.000000e+38 : f32
    %broadcast_in_dim3A_587 = vector.broadcast %jit3A_586 : f32 to vector<256x1024xf32>
    %select_n3A_588 = arith.select %eq3A_585, %convert_element_type3A_583, %broadcast_in_dim3A_587 : vector<256x1024xi1>, vector<256x1024xf32>
    %reduce_min3A_589 = arith.constant dense<0x7F800000> : vector<1024xf32>
    %reduce_min3A_590 = vector.multi_reduction <minimumf>, %select_n3A_588, %reduce_min3A_589 [0] : vector<256x1024xf32> to vector<1024xf32>
    %broadcast_in_dim3A_591 = vector.shape_cast %reduce_min3A_590 : vector<1024xf32> to vector<1x1024xf32>
    %add3A_592 = arith.constant 4.864000e+03 : f32
    %add3A_593 = vector.broadcast %add3A_592 : f32 to vector<1x1024xf32>
    %add3A_594 = arith.addf %broadcast_in_dim3A_591, %add3A_593 : vector<1x1024xf32>
    %lt3A_595 = arith.cmpf olt, %broadcast_in_dim3A_581, %select_n3A_567 : vector<1x1024xf32>
    %select_n3A_596 = arith.select %lt3A_595, %broadcast_in_dim3A_581, %select_n3A_567 : vector<1x1024xi1>, vector<1x1024xf32>
    %select_n3A_597 = arith.select %lt3A_595, %add3A_594, %select_n3A_568 : vector<1x1024xi1>, vector<1x1024xf32>
    %get3A_598 = arith.constant 5120 : index
    %get3A_599 = arith.constant 0 : index
    %get3A_600 = vector.load %arg4[%get3A_598, %get3A_599] : memref<8192x256xf32, #tpu.memory_space<vmem>>, vector<256x256xf32>
    %dot_general3A_601 = arith.constant dense<0.000000e+00> : vector<256x1024xf32>
    %dot_general3A_602 = tpu.matmul %get3A_600, %add3A_13, %dot_general3A_601 {dimension_numbers = #tpu.dot_dimension_numbers<[1], [0], [0], [1], [0, 0, 1, 1], [], []>, transpose_lhs_hint = false} : vector<256x256xf32>, vector<256x1024xf32>, vector<256x1024xf32> -> vector<256x1024xf32>
    %get3A_603 = arith.constant 5120 : index
    %get3A_604 = arith.constant 0 : index
    %get3A_605 = vector.load %arg8[%get3A_603, %get3A_604] : memref<8192x1xf32, #tpu.memory_space<vmem>>, vector<256x1xf32>
    %sub3A_606 = vector.broadcast %get3A_605 : vector<256x1xf32> to vector<256x1024xf32>
    %sub3A_607 = arith.subf %sub3A_606, %dot_general3A_602 : vector<256x1024xf32>
    %reduce_min3A_608 = arith.constant dense<0x7F800000> : vector<1024xf32>
    %reduce_min3A_609 = vector.multi_reduction <minimumf>, %sub3A_607, %reduce_min3A_608 [0] : vector<256x1024xf32> to vector<1024xf32>
    %broadcast_in_dim3A_610 = vector.shape_cast %reduce_min3A_609 : vector<1024xf32> to vector<1x1024xf32>
    %iota3A_611 = tpu.iota {dimensions = array<i32: 0>} : vector<256x1024xi32>
    %convert_element_type3A_612 = arith.sitofp %iota3A_611 : vector<256x1024xi32> to vector<256x1024xf32>
    %eq3A_613 = vector.broadcast %broadcast_in_dim3A_610 : vector<1x1024xf32> to vector<256x1024xf32>
    %eq3A_614 = arith.cmpf oeq, %sub3A_607, %eq3A_613 : vector<256x1024xf32>
    %jit3A_615 = arith.constant 3.000000e+38 : f32
    %broadcast_in_dim3A_616 = vector.broadcast %jit3A_615 : f32 to vector<256x1024xf32>
    %select_n3A_617 = arith.select %eq3A_614, %convert_element_type3A_612, %broadcast_in_dim3A_616 : vector<256x1024xi1>, vector<256x1024xf32>
    %reduce_min3A_618 = arith.constant dense<0x7F800000> : vector<1024xf32>
    %reduce_min3A_619 = vector.multi_reduction <minimumf>, %select_n3A_617, %reduce_min3A_618 [0] : vector<256x1024xf32> to vector<1024xf32>
    %broadcast_in_dim3A_620 = vector.shape_cast %reduce_min3A_619 : vector<1024xf32> to vector<1x1024xf32>
    %add3A_621 = arith.constant 5.120000e+03 : f32
    %add3A_622 = vector.broadcast %add3A_621 : f32 to vector<1x1024xf32>
    %add3A_623 = arith.addf %broadcast_in_dim3A_620, %add3A_622 : vector<1x1024xf32>
    %lt3A_624 = arith.cmpf olt, %broadcast_in_dim3A_610, %select_n3A_596 : vector<1x1024xf32>
    %select_n3A_625 = arith.select %lt3A_624, %broadcast_in_dim3A_610, %select_n3A_596 : vector<1x1024xi1>, vector<1x1024xf32>
    %select_n3A_626 = arith.select %lt3A_624, %add3A_623, %select_n3A_597 : vector<1x1024xi1>, vector<1x1024xf32>
    %get3A_627 = arith.constant 5376 : index
    %get3A_628 = arith.constant 0 : index
    %get3A_629 = vector.load %arg4[%get3A_627, %get3A_628] : memref<8192x256xf32, #tpu.memory_space<vmem>>, vector<256x256xf32>
    %dot_general3A_630 = arith.constant dense<0.000000e+00> : vector<256x1024xf32>
    %dot_general3A_631 = tpu.matmul %get3A_629, %add3A_13, %dot_general3A_630 {dimension_numbers = #tpu.dot_dimension_numbers<[1], [0], [0], [1], [0, 0, 1, 1], [], []>, transpose_lhs_hint = false} : vector<256x256xf32>, vector<256x1024xf32>, vector<256x1024xf32> -> vector<256x1024xf32>
    %get3A_632 = arith.constant 5376 : index
    %get3A_633 = arith.constant 0 : index
    %get3A_634 = vector.load %arg8[%get3A_632, %get3A_633] : memref<8192x1xf32, #tpu.memory_space<vmem>>, vector<256x1xf32>
    %sub3A_635 = vector.broadcast %get3A_634 : vector<256x1xf32> to vector<256x1024xf32>
    %sub3A_636 = arith.subf %sub3A_635, %dot_general3A_631 : vector<256x1024xf32>
    %reduce_min3A_637 = arith.constant dense<0x7F800000> : vector<1024xf32>
    %reduce_min3A_638 = vector.multi_reduction <minimumf>, %sub3A_636, %reduce_min3A_637 [0] : vector<256x1024xf32> to vector<1024xf32>
    %broadcast_in_dim3A_639 = vector.shape_cast %reduce_min3A_638 : vector<1024xf32> to vector<1x1024xf32>
    %iota3A_640 = tpu.iota {dimensions = array<i32: 0>} : vector<256x1024xi32>
    %convert_element_type3A_641 = arith.sitofp %iota3A_640 : vector<256x1024xi32> to vector<256x1024xf32>
    %eq3A_642 = vector.broadcast %broadcast_in_dim3A_639 : vector<1x1024xf32> to vector<256x1024xf32>
    %eq3A_643 = arith.cmpf oeq, %sub3A_636, %eq3A_642 : vector<256x1024xf32>
    %jit3A_644 = arith.constant 3.000000e+38 : f32
    %broadcast_in_dim3A_645 = vector.broadcast %jit3A_644 : f32 to vector<256x1024xf32>
    %select_n3A_646 = arith.select %eq3A_643, %convert_element_type3A_641, %broadcast_in_dim3A_645 : vector<256x1024xi1>, vector<256x1024xf32>
    %reduce_min3A_647 = arith.constant dense<0x7F800000> : vector<1024xf32>
    %reduce_min3A_648 = vector.multi_reduction <minimumf>, %select_n3A_646, %reduce_min3A_647 [0] : vector<256x1024xf32> to vector<1024xf32>
    %broadcast_in_dim3A_649 = vector.shape_cast %reduce_min3A_648 : vector<1024xf32> to vector<1x1024xf32>
    %add3A_650 = arith.constant 5.376000e+03 : f32
    %add3A_651 = vector.broadcast %add3A_650 : f32 to vector<1x1024xf32>
    %add3A_652 = arith.addf %broadcast_in_dim3A_649, %add3A_651 : vector<1x1024xf32>
    %lt3A_653 = arith.cmpf olt, %broadcast_in_dim3A_639, %select_n3A_625 : vector<1x1024xf32>
    %select_n3A_654 = arith.select %lt3A_653, %broadcast_in_dim3A_639, %select_n3A_625 : vector<1x1024xi1>, vector<1x1024xf32>
    %select_n3A_655 = arith.select %lt3A_653, %add3A_652, %select_n3A_626 : vector<1x1024xi1>, vector<1x1024xf32>
    %get3A_656 = arith.constant 5632 : index
    %get3A_657 = arith.constant 0 : index
    %get3A_658 = vector.load %arg4[%get3A_656, %get3A_657] : memref<8192x256xf32, #tpu.memory_space<vmem>>, vector<256x256xf32>
    %dot_general3A_659 = arith.constant dense<0.000000e+00> : vector<256x1024xf32>
    %dot_general3A_660 = tpu.matmul %get3A_658, %add3A_13, %dot_general3A_659 {dimension_numbers = #tpu.dot_dimension_numbers<[1], [0], [0], [1], [0, 0, 1, 1], [], []>, transpose_lhs_hint = false} : vector<256x256xf32>, vector<256x1024xf32>, vector<256x1024xf32> -> vector<256x1024xf32>
    %get3A_661 = arith.constant 5632 : index
    %get3A_662 = arith.constant 0 : index
    %get3A_663 = vector.load %arg8[%get3A_661, %get3A_662] : memref<8192x1xf32, #tpu.memory_space<vmem>>, vector<256x1xf32>
    %sub3A_664 = vector.broadcast %get3A_663 : vector<256x1xf32> to vector<256x1024xf32>
    %sub3A_665 = arith.subf %sub3A_664, %dot_general3A_660 : vector<256x1024xf32>
    %reduce_min3A_666 = arith.constant dense<0x7F800000> : vector<1024xf32>
    %reduce_min3A_667 = vector.multi_reduction <minimumf>, %sub3A_665, %reduce_min3A_666 [0] : vector<256x1024xf32> to vector<1024xf32>
    %broadcast_in_dim3A_668 = vector.shape_cast %reduce_min3A_667 : vector<1024xf32> to vector<1x1024xf32>
    %iota3A_669 = tpu.iota {dimensions = array<i32: 0>} : vector<256x1024xi32>
    %convert_element_type3A_670 = arith.sitofp %iota3A_669 : vector<256x1024xi32> to vector<256x1024xf32>
    %eq3A_671 = vector.broadcast %broadcast_in_dim3A_668 : vector<1x1024xf32> to vector<256x1024xf32>
    %eq3A_672 = arith.cmpf oeq, %sub3A_665, %eq3A_671 : vector<256x1024xf32>
    %jit3A_673 = arith.constant 3.000000e+38 : f32
    %broadcast_in_dim3A_674 = vector.broadcast %jit3A_673 : f32 to vector<256x1024xf32>
    %select_n3A_675 = arith.select %eq3A_672, %convert_element_type3A_670, %broadcast_in_dim3A_674 : vector<256x1024xi1>, vector<256x1024xf32>
    %reduce_min3A_676 = arith.constant dense<0x7F800000> : vector<1024xf32>
    %reduce_min3A_677 = vector.multi_reduction <minimumf>, %select_n3A_675, %reduce_min3A_676 [0] : vector<256x1024xf32> to vector<1024xf32>
    %broadcast_in_dim3A_678 = vector.shape_cast %reduce_min3A_677 : vector<1024xf32> to vector<1x1024xf32>
    %add3A_679 = arith.constant 5.632000e+03 : f32
    %add3A_680 = vector.broadcast %add3A_679 : f32 to vector<1x1024xf32>
    %add3A_681 = arith.addf %broadcast_in_dim3A_678, %add3A_680 : vector<1x1024xf32>
    %lt3A_682 = arith.cmpf olt, %broadcast_in_dim3A_668, %select_n3A_654 : vector<1x1024xf32>
    %select_n3A_683 = arith.select %lt3A_682, %broadcast_in_dim3A_668, %select_n3A_654 : vector<1x1024xi1>, vector<1x1024xf32>
    %select_n3A_684 = arith.select %lt3A_682, %add3A_681, %select_n3A_655 : vector<1x1024xi1>, vector<1x1024xf32>
    %get3A_685 = arith.constant 5888 : index
    %get3A_686 = arith.constant 0 : index
    %get3A_687 = vector.load %arg4[%get3A_685, %get3A_686] : memref<8192x256xf32, #tpu.memory_space<vmem>>, vector<256x256xf32>
    %dot_general3A_688 = arith.constant dense<0.000000e+00> : vector<256x1024xf32>
    %dot_general3A_689 = tpu.matmul %get3A_687, %add3A_13, %dot_general3A_688 {dimension_numbers = #tpu.dot_dimension_numbers<[1], [0], [0], [1], [0, 0, 1, 1], [], []>, transpose_lhs_hint = false} : vector<256x256xf32>, vector<256x1024xf32>, vector<256x1024xf32> -> vector<256x1024xf32>
    %get3A_690 = arith.constant 5888 : index
    %get3A_691 = arith.constant 0 : index
    %get3A_692 = vector.load %arg8[%get3A_690, %get3A_691] : memref<8192x1xf32, #tpu.memory_space<vmem>>, vector<256x1xf32>
    %sub3A_693 = vector.broadcast %get3A_692 : vector<256x1xf32> to vector<256x1024xf32>
    %sub3A_694 = arith.subf %sub3A_693, %dot_general3A_689 : vector<256x1024xf32>
    %reduce_min3A_695 = arith.constant dense<0x7F800000> : vector<1024xf32>
    %reduce_min3A_696 = vector.multi_reduction <minimumf>, %sub3A_694, %reduce_min3A_695 [0] : vector<256x1024xf32> to vector<1024xf32>
    %broadcast_in_dim3A_697 = vector.shape_cast %reduce_min3A_696 : vector<1024xf32> to vector<1x1024xf32>
    %iota3A_698 = tpu.iota {dimensions = array<i32: 0>} : vector<256x1024xi32>
    %convert_element_type3A_699 = arith.sitofp %iota3A_698 : vector<256x1024xi32> to vector<256x1024xf32>
    %eq3A_700 = vector.broadcast %broadcast_in_dim3A_697 : vector<1x1024xf32> to vector<256x1024xf32>
    %eq3A_701 = arith.cmpf oeq, %sub3A_694, %eq3A_700 : vector<256x1024xf32>
    %jit3A_702 = arith.constant 3.000000e+38 : f32
    %broadcast_in_dim3A_703 = vector.broadcast %jit3A_702 : f32 to vector<256x1024xf32>
    %select_n3A_704 = arith.select %eq3A_701, %convert_element_type3A_699, %broadcast_in_dim3A_703 : vector<256x1024xi1>, vector<256x1024xf32>
    %reduce_min3A_705 = arith.constant dense<0x7F800000> : vector<1024xf32>
    %reduce_min3A_706 = vector.multi_reduction <minimumf>, %select_n3A_704, %reduce_min3A_705 [0] : vector<256x1024xf32> to vector<1024xf32>
    %broadcast_in_dim3A_707 = vector.shape_cast %reduce_min3A_706 : vector<1024xf32> to vector<1x1024xf32>
    %add3A_708 = arith.constant 5.888000e+03 : f32
    %add3A_709 = vector.broadcast %add3A_708 : f32 to vector<1x1024xf32>
    %add3A_710 = arith.addf %broadcast_in_dim3A_707, %add3A_709 : vector<1x1024xf32>
    %lt3A_711 = arith.cmpf olt, %broadcast_in_dim3A_697, %select_n3A_683 : vector<1x1024xf32>
    %select_n3A_712 = arith.select %lt3A_711, %broadcast_in_dim3A_697, %select_n3A_683 : vector<1x1024xi1>, vector<1x1024xf32>
    %select_n3A_713 = arith.select %lt3A_711, %add3A_710, %select_n3A_684 : vector<1x1024xi1>, vector<1x1024xf32>
    %get3A_714 = arith.constant 6144 : index
    %get3A_715 = arith.constant 0 : index
    %get3A_716 = vector.load %arg4[%get3A_714, %get3A_715] : memref<8192x256xf32, #tpu.memory_space<vmem>>, vector<256x256xf32>
    %dot_general3A_717 = arith.constant dense<0.000000e+00> : vector<256x1024xf32>
    %dot_general3A_718 = tpu.matmul %get3A_716, %add3A_13, %dot_general3A_717 {dimension_numbers = #tpu.dot_dimension_numbers<[1], [0], [0], [1], [0, 0, 1, 1], [], []>, transpose_lhs_hint = false} : vector<256x256xf32>, vector<256x1024xf32>, vector<256x1024xf32> -> vector<256x1024xf32>
    %get3A_719 = arith.constant 6144 : index
    %get3A_720 = arith.constant 0 : index
    %get3A_721 = vector.load %arg8[%get3A_719, %get3A_720] : memref<8192x1xf32, #tpu.memory_space<vmem>>, vector<256x1xf32>
    %sub3A_722 = vector.broadcast %get3A_721 : vector<256x1xf32> to vector<256x1024xf32>
    %sub3A_723 = arith.subf %sub3A_722, %dot_general3A_718 : vector<256x1024xf32>
    %reduce_min3A_724 = arith.constant dense<0x7F800000> : vector<1024xf32>
    %reduce_min3A_725 = vector.multi_reduction <minimumf>, %sub3A_723, %reduce_min3A_724 [0] : vector<256x1024xf32> to vector<1024xf32>
    %broadcast_in_dim3A_726 = vector.shape_cast %reduce_min3A_725 : vector<1024xf32> to vector<1x1024xf32>
    %iota3A_727 = tpu.iota {dimensions = array<i32: 0>} : vector<256x1024xi32>
    %convert_element_type3A_728 = arith.sitofp %iota3A_727 : vector<256x1024xi32> to vector<256x1024xf32>
    %eq3A_729 = vector.broadcast %broadcast_in_dim3A_726 : vector<1x1024xf32> to vector<256x1024xf32>
    %eq3A_730 = arith.cmpf oeq, %sub3A_723, %eq3A_729 : vector<256x1024xf32>
    %jit3A_731 = arith.constant 3.000000e+38 : f32
    %broadcast_in_dim3A_732 = vector.broadcast %jit3A_731 : f32 to vector<256x1024xf32>
    %select_n3A_733 = arith.select %eq3A_730, %convert_element_type3A_728, %broadcast_in_dim3A_732 : vector<256x1024xi1>, vector<256x1024xf32>
    %reduce_min3A_734 = arith.constant dense<0x7F800000> : vector<1024xf32>
    %reduce_min3A_735 = vector.multi_reduction <minimumf>, %select_n3A_733, %reduce_min3A_734 [0] : vector<256x1024xf32> to vector<1024xf32>
    %broadcast_in_dim3A_736 = vector.shape_cast %reduce_min3A_735 : vector<1024xf32> to vector<1x1024xf32>
    %add3A_737 = arith.constant 6.144000e+03 : f32
    %add3A_738 = vector.broadcast %add3A_737 : f32 to vector<1x1024xf32>
    %add3A_739 = arith.addf %broadcast_in_dim3A_736, %add3A_738 : vector<1x1024xf32>
    %lt3A_740 = arith.cmpf olt, %broadcast_in_dim3A_726, %select_n3A_712 : vector<1x1024xf32>
    %select_n3A_741 = arith.select %lt3A_740, %broadcast_in_dim3A_726, %select_n3A_712 : vector<1x1024xi1>, vector<1x1024xf32>
    %select_n3A_742 = arith.select %lt3A_740, %add3A_739, %select_n3A_713 : vector<1x1024xi1>, vector<1x1024xf32>
    %get3A_743 = arith.constant 6400 : index
    %get3A_744 = arith.constant 0 : index
    %get3A_745 = vector.load %arg4[%get3A_743, %get3A_744] : memref<8192x256xf32, #tpu.memory_space<vmem>>, vector<256x256xf32>
    %dot_general3A_746 = arith.constant dense<0.000000e+00> : vector<256x1024xf32>
    %dot_general3A_747 = tpu.matmul %get3A_745, %add3A_13, %dot_general3A_746 {dimension_numbers = #tpu.dot_dimension_numbers<[1], [0], [0], [1], [0, 0, 1, 1], [], []>, transpose_lhs_hint = false} : vector<256x256xf32>, vector<256x1024xf32>, vector<256x1024xf32> -> vector<256x1024xf32>
    %get3A_748 = arith.constant 6400 : index
    %get3A_749 = arith.constant 0 : index
    %get3A_750 = vector.load %arg8[%get3A_748, %get3A_749] : memref<8192x1xf32, #tpu.memory_space<vmem>>, vector<256x1xf32>
    %sub3A_751 = vector.broadcast %get3A_750 : vector<256x1xf32> to vector<256x1024xf32>
    %sub3A_752 = arith.subf %sub3A_751, %dot_general3A_747 : vector<256x1024xf32>
    %reduce_min3A_753 = arith.constant dense<0x7F800000> : vector<1024xf32>
    %reduce_min3A_754 = vector.multi_reduction <minimumf>, %sub3A_752, %reduce_min3A_753 [0] : vector<256x1024xf32> to vector<1024xf32>
    %broadcast_in_dim3A_755 = vector.shape_cast %reduce_min3A_754 : vector<1024xf32> to vector<1x1024xf32>
    %iota3A_756 = tpu.iota {dimensions = array<i32: 0>} : vector<256x1024xi32>
    %convert_element_type3A_757 = arith.sitofp %iota3A_756 : vector<256x1024xi32> to vector<256x1024xf32>
    %eq3A_758 = vector.broadcast %broadcast_in_dim3A_755 : vector<1x1024xf32> to vector<256x1024xf32>
    %eq3A_759 = arith.cmpf oeq, %sub3A_752, %eq3A_758 : vector<256x1024xf32>
    %jit3A_760 = arith.constant 3.000000e+38 : f32
    %broadcast_in_dim3A_761 = vector.broadcast %jit3A_760 : f32 to vector<256x1024xf32>
    %select_n3A_762 = arith.select %eq3A_759, %convert_element_type3A_757, %broadcast_in_dim3A_761 : vector<256x1024xi1>, vector<256x1024xf32>
    %reduce_min3A_763 = arith.constant dense<0x7F800000> : vector<1024xf32>
    %reduce_min3A_764 = vector.multi_reduction <minimumf>, %select_n3A_762, %reduce_min3A_763 [0] : vector<256x1024xf32> to vector<1024xf32>
    %broadcast_in_dim3A_765 = vector.shape_cast %reduce_min3A_764 : vector<1024xf32> to vector<1x1024xf32>
    %add3A_766 = arith.constant 6.400000e+03 : f32
    %add3A_767 = vector.broadcast %add3A_766 : f32 to vector<1x1024xf32>
    %add3A_768 = arith.addf %broadcast_in_dim3A_765, %add3A_767 : vector<1x1024xf32>
    %lt3A_769 = arith.cmpf olt, %broadcast_in_dim3A_755, %select_n3A_741 : vector<1x1024xf32>
    %select_n3A_770 = arith.select %lt3A_769, %broadcast_in_dim3A_755, %select_n3A_741 : vector<1x1024xi1>, vector<1x1024xf32>
    %select_n3A_771 = arith.select %lt3A_769, %add3A_768, %select_n3A_742 : vector<1x1024xi1>, vector<1x1024xf32>
    %get3A_772 = arith.constant 6656 : index
    %get3A_773 = arith.constant 0 : index
    %get3A_774 = vector.load %arg4[%get3A_772, %get3A_773] : memref<8192x256xf32, #tpu.memory_space<vmem>>, vector<256x256xf32>
    %dot_general3A_775 = arith.constant dense<0.000000e+00> : vector<256x1024xf32>
    %dot_general3A_776 = tpu.matmul %get3A_774, %add3A_13, %dot_general3A_775 {dimension_numbers = #tpu.dot_dimension_numbers<[1], [0], [0], [1], [0, 0, 1, 1], [], []>, transpose_lhs_hint = false} : vector<256x256xf32>, vector<256x1024xf32>, vector<256x1024xf32> -> vector<256x1024xf32>
    %get3A_777 = arith.constant 6656 : index
    %get3A_778 = arith.constant 0 : index
    %get3A_779 = vector.load %arg8[%get3A_777, %get3A_778] : memref<8192x1xf32, #tpu.memory_space<vmem>>, vector<256x1xf32>
    %sub3A_780 = vector.broadcast %get3A_779 : vector<256x1xf32> to vector<256x1024xf32>
    %sub3A_781 = arith.subf %sub3A_780, %dot_general3A_776 : vector<256x1024xf32>
    %reduce_min3A_782 = arith.constant dense<0x7F800000> : vector<1024xf32>
    %reduce_min3A_783 = vector.multi_reduction <minimumf>, %sub3A_781, %reduce_min3A_782 [0] : vector<256x1024xf32> to vector<1024xf32>
    %broadcast_in_dim3A_784 = vector.shape_cast %reduce_min3A_783 : vector<1024xf32> to vector<1x1024xf32>
    %iota3A_785 = tpu.iota {dimensions = array<i32: 0>} : vector<256x1024xi32>
    %convert_element_type3A_786 = arith.sitofp %iota3A_785 : vector<256x1024xi32> to vector<256x1024xf32>
    %eq3A_787 = vector.broadcast %broadcast_in_dim3A_784 : vector<1x1024xf32> to vector<256x1024xf32>
    %eq3A_788 = arith.cmpf oeq, %sub3A_781, %eq3A_787 : vector<256x1024xf32>
    %jit3A_789 = arith.constant 3.000000e+38 : f32
    %broadcast_in_dim3A_790 = vector.broadcast %jit3A_789 : f32 to vector<256x1024xf32>
    %select_n3A_791 = arith.select %eq3A_788, %convert_element_type3A_786, %broadcast_in_dim3A_790 : vector<256x1024xi1>, vector<256x1024xf32>
    %reduce_min3A_792 = arith.constant dense<0x7F800000> : vector<1024xf32>
    %reduce_min3A_793 = vector.multi_reduction <minimumf>, %select_n3A_791, %reduce_min3A_792 [0] : vector<256x1024xf32> to vector<1024xf32>
    %broadcast_in_dim3A_794 = vector.shape_cast %reduce_min3A_793 : vector<1024xf32> to vector<1x1024xf32>
    %add3A_795 = arith.constant 6.656000e+03 : f32
    %add3A_796 = vector.broadcast %add3A_795 : f32 to vector<1x1024xf32>
    %add3A_797 = arith.addf %broadcast_in_dim3A_794, %add3A_796 : vector<1x1024xf32>
    %lt3A_798 = arith.cmpf olt, %broadcast_in_dim3A_784, %select_n3A_770 : vector<1x1024xf32>
    %select_n3A_799 = arith.select %lt3A_798, %broadcast_in_dim3A_784, %select_n3A_770 : vector<1x1024xi1>, vector<1x1024xf32>
    %select_n3A_800 = arith.select %lt3A_798, %add3A_797, %select_n3A_771 : vector<1x1024xi1>, vector<1x1024xf32>
    %get3A_801 = arith.constant 6912 : index
    %get3A_802 = arith.constant 0 : index
    %get3A_803 = vector.load %arg4[%get3A_801, %get3A_802] : memref<8192x256xf32, #tpu.memory_space<vmem>>, vector<256x256xf32>
    %dot_general3A_804 = arith.constant dense<0.000000e+00> : vector<256x1024xf32>
    %dot_general3A_805 = tpu.matmul %get3A_803, %add3A_13, %dot_general3A_804 {dimension_numbers = #tpu.dot_dimension_numbers<[1], [0], [0], [1], [0, 0, 1, 1], [], []>, transpose_lhs_hint = false} : vector<256x256xf32>, vector<256x1024xf32>, vector<256x1024xf32> -> vector<256x1024xf32>
    %get3A_806 = arith.constant 6912 : index
    %get3A_807 = arith.constant 0 : index
    %get3A_808 = vector.load %arg8[%get3A_806, %get3A_807] : memref<8192x1xf32, #tpu.memory_space<vmem>>, vector<256x1xf32>
    %sub3A_809 = vector.broadcast %get3A_808 : vector<256x1xf32> to vector<256x1024xf32>
    %sub3A_810 = arith.subf %sub3A_809, %dot_general3A_805 : vector<256x1024xf32>
    %reduce_min3A_811 = arith.constant dense<0x7F800000> : vector<1024xf32>
    %reduce_min3A_812 = vector.multi_reduction <minimumf>, %sub3A_810, %reduce_min3A_811 [0] : vector<256x1024xf32> to vector<1024xf32>
    %broadcast_in_dim3A_813 = vector.shape_cast %reduce_min3A_812 : vector<1024xf32> to vector<1x1024xf32>
    %iota3A_814 = tpu.iota {dimensions = array<i32: 0>} : vector<256x1024xi32>
    %convert_element_type3A_815 = arith.sitofp %iota3A_814 : vector<256x1024xi32> to vector<256x1024xf32>
    %eq3A_816 = vector.broadcast %broadcast_in_dim3A_813 : vector<1x1024xf32> to vector<256x1024xf32>
    %eq3A_817 = arith.cmpf oeq, %sub3A_810, %eq3A_816 : vector<256x1024xf32>
    %jit3A_818 = arith.constant 3.000000e+38 : f32
    %broadcast_in_dim3A_819 = vector.broadcast %jit3A_818 : f32 to vector<256x1024xf32>
    %select_n3A_820 = arith.select %eq3A_817, %convert_element_type3A_815, %broadcast_in_dim3A_819 : vector<256x1024xi1>, vector<256x1024xf32>
    %reduce_min3A_821 = arith.constant dense<0x7F800000> : vector<1024xf32>
    %reduce_min3A_822 = vector.multi_reduction <minimumf>, %select_n3A_820, %reduce_min3A_821 [0] : vector<256x1024xf32> to vector<1024xf32>
    %broadcast_in_dim3A_823 = vector.shape_cast %reduce_min3A_822 : vector<1024xf32> to vector<1x1024xf32>
    %add3A_824 = arith.constant 6.912000e+03 : f32
    %add3A_825 = vector.broadcast %add3A_824 : f32 to vector<1x1024xf32>
    %add3A_826 = arith.addf %broadcast_in_dim3A_823, %add3A_825 : vector<1x1024xf32>
    %lt3A_827 = arith.cmpf olt, %broadcast_in_dim3A_813, %select_n3A_799 : vector<1x1024xf32>
    %select_n3A_828 = arith.select %lt3A_827, %broadcast_in_dim3A_813, %select_n3A_799 : vector<1x1024xi1>, vector<1x1024xf32>
    %select_n3A_829 = arith.select %lt3A_827, %add3A_826, %select_n3A_800 : vector<1x1024xi1>, vector<1x1024xf32>
    %get3A_830 = arith.constant 7168 : index
    %get3A_831 = arith.constant 0 : index
    %get3A_832 = vector.load %arg4[%get3A_830, %get3A_831] : memref<8192x256xf32, #tpu.memory_space<vmem>>, vector<256x256xf32>
    %dot_general3A_833 = arith.constant dense<0.000000e+00> : vector<256x1024xf32>
    %dot_general3A_834 = tpu.matmul %get3A_832, %add3A_13, %dot_general3A_833 {dimension_numbers = #tpu.dot_dimension_numbers<[1], [0], [0], [1], [0, 0, 1, 1], [], []>, transpose_lhs_hint = false} : vector<256x256xf32>, vector<256x1024xf32>, vector<256x1024xf32> -> vector<256x1024xf32>
    %get3A_835 = arith.constant 7168 : index
    %get3A_836 = arith.constant 0 : index
    %get3A_837 = vector.load %arg8[%get3A_835, %get3A_836] : memref<8192x1xf32, #tpu.memory_space<vmem>>, vector<256x1xf32>
    %sub3A_838 = vector.broadcast %get3A_837 : vector<256x1xf32> to vector<256x1024xf32>
    %sub3A_839 = arith.subf %sub3A_838, %dot_general3A_834 : vector<256x1024xf32>
    %reduce_min3A_840 = arith.constant dense<0x7F800000> : vector<1024xf32>
    %reduce_min3A_841 = vector.multi_reduction <minimumf>, %sub3A_839, %reduce_min3A_840 [0] : vector<256x1024xf32> to vector<1024xf32>
    %broadcast_in_dim3A_842 = vector.shape_cast %reduce_min3A_841 : vector<1024xf32> to vector<1x1024xf32>
    %iota3A_843 = tpu.iota {dimensions = array<i32: 0>} : vector<256x1024xi32>
    %convert_element_type3A_844 = arith.sitofp %iota3A_843 : vector<256x1024xi32> to vector<256x1024xf32>
    %eq3A_845 = vector.broadcast %broadcast_in_dim3A_842 : vector<1x1024xf32> to vector<256x1024xf32>
    %eq3A_846 = arith.cmpf oeq, %sub3A_839, %eq3A_845 : vector<256x1024xf32>
    %jit3A_847 = arith.constant 3.000000e+38 : f32
    %broadcast_in_dim3A_848 = vector.broadcast %jit3A_847 : f32 to vector<256x1024xf32>
    %select_n3A_849 = arith.select %eq3A_846, %convert_element_type3A_844, %broadcast_in_dim3A_848 : vector<256x1024xi1>, vector<256x1024xf32>
    %reduce_min3A_850 = arith.constant dense<0x7F800000> : vector<1024xf32>
    %reduce_min3A_851 = vector.multi_reduction <minimumf>, %select_n3A_849, %reduce_min3A_850 [0] : vector<256x1024xf32> to vector<1024xf32>
    %broadcast_in_dim3A_852 = vector.shape_cast %reduce_min3A_851 : vector<1024xf32> to vector<1x1024xf32>
    %add3A_853 = arith.constant 7.168000e+03 : f32
    %add3A_854 = vector.broadcast %add3A_853 : f32 to vector<1x1024xf32>
    %add3A_855 = arith.addf %broadcast_in_dim3A_852, %add3A_854 : vector<1x1024xf32>
    %lt3A_856 = arith.cmpf olt, %broadcast_in_dim3A_842, %select_n3A_828 : vector<1x1024xf32>
    %select_n3A_857 = arith.select %lt3A_856, %broadcast_in_dim3A_842, %select_n3A_828 : vector<1x1024xi1>, vector<1x1024xf32>
    %select_n3A_858 = arith.select %lt3A_856, %add3A_855, %select_n3A_829 : vector<1x1024xi1>, vector<1x1024xf32>
    %get3A_859 = arith.constant 7424 : index
    %get3A_860 = arith.constant 0 : index
    %get3A_861 = vector.load %arg4[%get3A_859, %get3A_860] : memref<8192x256xf32, #tpu.memory_space<vmem>>, vector<256x256xf32>
    %dot_general3A_862 = arith.constant dense<0.000000e+00> : vector<256x1024xf32>
    %dot_general3A_863 = tpu.matmul %get3A_861, %add3A_13, %dot_general3A_862 {dimension_numbers = #tpu.dot_dimension_numbers<[1], [0], [0], [1], [0, 0, 1, 1], [], []>, transpose_lhs_hint = false} : vector<256x256xf32>, vector<256x1024xf32>, vector<256x1024xf32> -> vector<256x1024xf32>
    %get3A_864 = arith.constant 7424 : index
    %get3A_865 = arith.constant 0 : index
    %get3A_866 = vector.load %arg8[%get3A_864, %get3A_865] : memref<8192x1xf32, #tpu.memory_space<vmem>>, vector<256x1xf32>
    %sub3A_867 = vector.broadcast %get3A_866 : vector<256x1xf32> to vector<256x1024xf32>
    %sub3A_868 = arith.subf %sub3A_867, %dot_general3A_863 : vector<256x1024xf32>
    %reduce_min3A_869 = arith.constant dense<0x7F800000> : vector<1024xf32>
    %reduce_min3A_870 = vector.multi_reduction <minimumf>, %sub3A_868, %reduce_min3A_869 [0] : vector<256x1024xf32> to vector<1024xf32>
    %broadcast_in_dim3A_871 = vector.shape_cast %reduce_min3A_870 : vector<1024xf32> to vector<1x1024xf32>
    %iota3A_872 = tpu.iota {dimensions = array<i32: 0>} : vector<256x1024xi32>
    %convert_element_type3A_873 = arith.sitofp %iota3A_872 : vector<256x1024xi32> to vector<256x1024xf32>
    %eq3A_874 = vector.broadcast %broadcast_in_dim3A_871 : vector<1x1024xf32> to vector<256x1024xf32>
    %eq3A_875 = arith.cmpf oeq, %sub3A_868, %eq3A_874 : vector<256x1024xf32>
    %jit3A_876 = arith.constant 3.000000e+38 : f32
    %broadcast_in_dim3A_877 = vector.broadcast %jit3A_876 : f32 to vector<256x1024xf32>
    %select_n3A_878 = arith.select %eq3A_875, %convert_element_type3A_873, %broadcast_in_dim3A_877 : vector<256x1024xi1>, vector<256x1024xf32>
    %reduce_min3A_879 = arith.constant dense<0x7F800000> : vector<1024xf32>
    %reduce_min3A_880 = vector.multi_reduction <minimumf>, %select_n3A_878, %reduce_min3A_879 [0] : vector<256x1024xf32> to vector<1024xf32>
    %broadcast_in_dim3A_881 = vector.shape_cast %reduce_min3A_880 : vector<1024xf32> to vector<1x1024xf32>
    %add3A_882 = arith.constant 7.424000e+03 : f32
    %add3A_883 = vector.broadcast %add3A_882 : f32 to vector<1x1024xf32>
    %add3A_884 = arith.addf %broadcast_in_dim3A_881, %add3A_883 : vector<1x1024xf32>
    %lt3A_885 = arith.cmpf olt, %broadcast_in_dim3A_871, %select_n3A_857 : vector<1x1024xf32>
    %select_n3A_886 = arith.select %lt3A_885, %broadcast_in_dim3A_871, %select_n3A_857 : vector<1x1024xi1>, vector<1x1024xf32>
    %select_n3A_887 = arith.select %lt3A_885, %add3A_884, %select_n3A_858 : vector<1x1024xi1>, vector<1x1024xf32>
    %get3A_888 = arith.constant 7680 : index
    %get3A_889 = arith.constant 0 : index
    %get3A_890 = vector.load %arg4[%get3A_888, %get3A_889] : memref<8192x256xf32, #tpu.memory_space<vmem>>, vector<256x256xf32>
    %dot_general3A_891 = arith.constant dense<0.000000e+00> : vector<256x1024xf32>
    %dot_general3A_892 = tpu.matmul %get3A_890, %add3A_13, %dot_general3A_891 {dimension_numbers = #tpu.dot_dimension_numbers<[1], [0], [0], [1], [0, 0, 1, 1], [], []>, transpose_lhs_hint = false} : vector<256x256xf32>, vector<256x1024xf32>, vector<256x1024xf32> -> vector<256x1024xf32>
    %get3A_893 = arith.constant 7680 : index
    %get3A_894 = arith.constant 0 : index
    %get3A_895 = vector.load %arg8[%get3A_893, %get3A_894] : memref<8192x1xf32, #tpu.memory_space<vmem>>, vector<256x1xf32>
    %sub3A_896 = vector.broadcast %get3A_895 : vector<256x1xf32> to vector<256x1024xf32>
    %sub3A_897 = arith.subf %sub3A_896, %dot_general3A_892 : vector<256x1024xf32>
    %reduce_min3A_898 = arith.constant dense<0x7F800000> : vector<1024xf32>
    %reduce_min3A_899 = vector.multi_reduction <minimumf>, %sub3A_897, %reduce_min3A_898 [0] : vector<256x1024xf32> to vector<1024xf32>
    %broadcast_in_dim3A_900 = vector.shape_cast %reduce_min3A_899 : vector<1024xf32> to vector<1x1024xf32>
    %iota3A_901 = tpu.iota {dimensions = array<i32: 0>} : vector<256x1024xi32>
    %convert_element_type3A_902 = arith.sitofp %iota3A_901 : vector<256x1024xi32> to vector<256x1024xf32>
    %eq3A_903 = vector.broadcast %broadcast_in_dim3A_900 : vector<1x1024xf32> to vector<256x1024xf32>
    %eq3A_904 = arith.cmpf oeq, %sub3A_897, %eq3A_903 : vector<256x1024xf32>
    %jit3A_905 = arith.constant 3.000000e+38 : f32
    %broadcast_in_dim3A_906 = vector.broadcast %jit3A_905 : f32 to vector<256x1024xf32>
    %select_n3A_907 = arith.select %eq3A_904, %convert_element_type3A_902, %broadcast_in_dim3A_906 : vector<256x1024xi1>, vector<256x1024xf32>
    %reduce_min3A_908 = arith.constant dense<0x7F800000> : vector<1024xf32>
    %reduce_min3A_909 = vector.multi_reduction <minimumf>, %select_n3A_907, %reduce_min3A_908 [0] : vector<256x1024xf32> to vector<1024xf32>
    %broadcast_in_dim3A_910 = vector.shape_cast %reduce_min3A_909 : vector<1024xf32> to vector<1x1024xf32>
    %add3A_911 = arith.constant 7.680000e+03 : f32
    %add3A_912 = vector.broadcast %add3A_911 : f32 to vector<1x1024xf32>
    %add3A_913 = arith.addf %broadcast_in_dim3A_910, %add3A_912 : vector<1x1024xf32>
    %lt3A_914 = arith.cmpf olt, %broadcast_in_dim3A_900, %select_n3A_886 : vector<1x1024xf32>
    %select_n3A_915 = arith.select %lt3A_914, %broadcast_in_dim3A_900, %select_n3A_886 : vector<1x1024xi1>, vector<1x1024xf32>
    %select_n3A_916 = arith.select %lt3A_914, %add3A_913, %select_n3A_887 : vector<1x1024xi1>, vector<1x1024xf32>
    %get3A_917 = arith.constant 7936 : index
    %get3A_918 = arith.constant 0 : index
    %get3A_919 = vector.load %arg4[%get3A_917, %get3A_918] : memref<8192x256xf32, #tpu.memory_space<vmem>>, vector<256x256xf32>
    %dot_general3A_920 = arith.constant dense<0.000000e+00> : vector<256x1024xf32>
    %dot_general3A_921 = tpu.matmul %get3A_919, %add3A_13, %dot_general3A_920 {dimension_numbers = #tpu.dot_dimension_numbers<[1], [0], [0], [1], [0, 0, 1, 1], [], []>, transpose_lhs_hint = false} : vector<256x256xf32>, vector<256x1024xf32>, vector<256x1024xf32> -> vector<256x1024xf32>
    %get3A_922 = arith.constant 7936 : index
    %get3A_923 = arith.constant 0 : index
    %get3A_924 = vector.load %arg8[%get3A_922, %get3A_923] : memref<8192x1xf32, #tpu.memory_space<vmem>>, vector<256x1xf32>
    %sub3A_925 = vector.broadcast %get3A_924 : vector<256x1xf32> to vector<256x1024xf32>
    %sub3A_926 = arith.subf %sub3A_925, %dot_general3A_921 : vector<256x1024xf32>
    %reduce_min3A_927 = arith.constant dense<0x7F800000> : vector<1024xf32>
    %reduce_min3A_928 = vector.multi_reduction <minimumf>, %sub3A_926, %reduce_min3A_927 [0] : vector<256x1024xf32> to vector<1024xf32>
    %broadcast_in_dim3A_929 = vector.shape_cast %reduce_min3A_928 : vector<1024xf32> to vector<1x1024xf32>
    %iota3A_930 = tpu.iota {dimensions = array<i32: 0>} : vector<256x1024xi32>
    %convert_element_type3A_931 = arith.sitofp %iota3A_930 : vector<256x1024xi32> to vector<256x1024xf32>
    %eq3A_932 = vector.broadcast %broadcast_in_dim3A_929 : vector<1x1024xf32> to vector<256x1024xf32>
    %eq3A_933 = arith.cmpf oeq, %sub3A_926, %eq3A_932 : vector<256x1024xf32>
    %jit3A_934 = arith.constant 3.000000e+38 : f32
    %broadcast_in_dim3A_935 = vector.broadcast %jit3A_934 : f32 to vector<256x1024xf32>
    %select_n3A_936 = arith.select %eq3A_933, %convert_element_type3A_931, %broadcast_in_dim3A_935 : vector<256x1024xi1>, vector<256x1024xf32>
    %reduce_min3A_937 = arith.constant dense<0x7F800000> : vector<1024xf32>
    %reduce_min3A_938 = vector.multi_reduction <minimumf>, %select_n3A_936, %reduce_min3A_937 [0] : vector<256x1024xf32> to vector<1024xf32>
    %broadcast_in_dim3A_939 = vector.shape_cast %reduce_min3A_938 : vector<1024xf32> to vector<1x1024xf32>
    %add3A_940 = arith.constant 7.936000e+03 : f32
    %add3A_941 = vector.broadcast %add3A_940 : f32 to vector<1x1024xf32>
    %add3A_942 = arith.addf %broadcast_in_dim3A_939, %add3A_941 : vector<1x1024xf32>
    %lt3A_943 = arith.cmpf olt, %broadcast_in_dim3A_929, %select_n3A_915 : vector<1x1024xf32>
    %select_n3A_944 = arith.select %lt3A_943, %broadcast_in_dim3A_929, %select_n3A_915 : vector<1x1024xi1>, vector<1x1024xf32>
    %select_n3A_945 = arith.select %lt3A_943, %add3A_942, %select_n3A_916 : vector<1x1024xi1>, vector<1x1024xf32>
    %convert_element_type3A_946 = arith.fptosi %select_n3A_945 : vector<1x1024xf32> to vector<1x1024xi32>
    %reshape3A_947 = vector.shape_cast %convert_element_type3A_946 : vector<1x1024xi32> to vector<1x8x128xi32>
    %swap3A_948 = arith.constant 0 : index
    %swap3A_949 = arith.constant 0 : index
    %swap3A_950 = arith.constant 0 : index
    %swap3A_951 = vector.load %arg5[%swap3A_948, %swap3A_949, %swap3A_950] : memref<1x8x128xi32, #tpu.memory_space<vmem>>, vector<1x8x128xi32>
    tpu.vector_store %arg5[%swap3A_948, %swap3A_949, %swap3A_950], %reshape3A_947 {strides = array<i32>} : memref<1x8x128xi32, #tpu.memory_space<vmem>>, vector<1x8x128xi32>,
    %reduce_sum3A_952 = vector.shape_cast %select_n3A_944 : vector<1x1024xf32> to vector<1x1x1024xf32>
    %reduce_sum3A_953 = arith.constant dense<0.000000e+00> : vector<1xf32>
    %reduce_sum3A_954 = vector.multi_reduction <add>, %reduce_sum3A_952, %reduce_sum3A_953 [1, 2] : vector<1x1x1024xf32> to vector<1xf32>
    %reduce_sum3A_955 = vector.shape_cast %reduce_sum3A_954 : vector<1xf32> to vector<1x1x1xf32>
    %reduce_sum3A_956 = vector.extract %reduce_sum3A_955[0, 0, 0] : f32 from vector<1x1x1xf32>
    %reshape3A_957 = vector.broadcast %reduce_sum3A_956 : f32 to vector<1x1x1xf32>
    %swap3A_958 = arith.constant 0 : index
    %swap3A_959 = arith.constant 0 : index
    %swap3A_960 = arith.constant 0 : index
    %swap3A_961 = vector.load %arg7[%swap3A_958, %swap3A_959, %swap3A_960] : memref<1x1x1xf32, #tpu.memory_space<vmem>>, vector<1x1x1xf32>
    tpu.vector_store %arg7[%swap3A_958, %swap3A_959, %swap3A_960], %reshape3A_957 {strides = array<i32>} : memref<1x1x1xf32, #tpu.memory_space<vmem>>, vector<1x1x1xf32>,
    return
  }
  func.func @transform_0(%arg0: i32) -> (i32, i32, i32) {
    %c0_i32 = arith.constant 0 : i32
    %c0_i32_0 = arith.constant 0 : i32
    %c0_i32_1 = arith.constant 0 : i32
    return %arg0, %c0_i32, %c0_i32_0 : i32, i32, i32
  }
  func.func @transform_1(%arg0: i32) -> (i32, i32) {
    %c0_i32 = arith.constant 0 : i32
    %c0_i32_0 = arith.constant 0 : i32
    %c0_i32_1 = arith.constant 0 : i32
    return %c0_i32, %c0_i32_0 : i32, i32
  }
  func.func @transform_2(%arg0: i32) -> (i32, i32) {
    %c0_i32 = arith.constant 0 : i32
    %c0_i32_0 = arith.constant 0 : i32
    %c0_i32_1 = arith.constant 0 : i32
    return %c0_i32, %c0_i32_0 : i32, i32
  }
  func.func @transform_3(%arg0: i32) -> (i32, i32) {
    %c0_i32 = arith.constant 0 : i32
    %c0_i32_0 = arith.constant 0 : i32
    %c0_i32_1 = arith.constant 0 : i32
    return %c0_i32, %c0_i32_0 : i32, i32
  }
  func.func @transform_4(%arg0: i32) -> (i32, i32, i32) {
    %c0_i32 = arith.constant 0 : i32
    %c0_i32_0 = arith.constant 0 : i32
    %c0_i32_1 = arith.constant 0 : i32
    return %arg0, %c0_i32, %c0_i32_0 : i32, i32, i32
  }
  func.func @transform_5(%arg0: i32) -> (i32, i32, i32) {
    %c0_i32 = arith.constant 0 : i32
    %c0_i32_0 = arith.constant 0 : i32
    %c0_i32_1 = arith.constant 0 : i32
    return %arg0, %c0_i32, %c0_i32_0 : i32, i32, i32
  }
  func.func @transform_6(%arg0: i32) -> (i32, i32, i32) {
    %c0_i32 = arith.constant 0 : i32
    %c0_i32_0 = arith.constant 0 : i32
    %c0_i32_1 = arith.constant 0 : i32
    return %arg0, %c0_i32, %c0_i32_0 : i32, i32, i32
  }
}

module attributes {stable_mosaic.version = 14 : i64} {
  func.func @_tc_epilogue_body(%arg0: memref<4x1x1xf32, #tpu.memory_space<vmem>>, %arg1: memref<4x1x1xf32, #tpu.memory_space<vmem>>, %arg2: memref<32x8192xf32, #tpu.memory_space<vmem>>, %arg3: memref<1x1xf32, #tpu.memory_space<vmem>>, %arg4: memref<1x1xf32, #tpu.memory_space<vmem>>, %arg5: memref<4x1xf32, #tpu.memory_space<vmem>>) attributes {dimension_semantics = [], scalar_prefetch = 0 : i64, scratch_operands = 0 : i64, tpu.core_type = #tpu.core_type<tc>} {
    %get3A = arith.constant 0 : index
    %get3A_0 = arith.constant 0 : index
    %get3A_1 = arith.constant 0 : index
    %get3A_2 = vector.load %arg1[%get3A, %get3A_0, %get3A_1] : memref<4x1x1xf32, #tpu.memory_space<vmem>>, vector<4x1x1xf32>
    %reduce_sum3A = vector.shape_cast %get3A_2 : vector<4x1x1xf32> to vector<1x4x1x1xf32>
    %reduce_sum3A_3 = arith.constant dense<0.000000e+00> : vector<1xf32>
    %reduce_sum3A_4 = vector.multi_reduction <add>, %reduce_sum3A, %reduce_sum3A_3 [1, 2, 3] : vector<1x4x1x1xf32> to vector<1xf32>
    %reduce_sum3A_5 = vector.shape_cast %reduce_sum3A_4 : vector<1xf32> to vector<1x1x1x1xf32>
    %reduce_sum3A_6 = vector.extract %reduce_sum3A_5[0, 0, 0, 0] : f32 from vector<1x1x1x1xf32>
    %mul3A = arith.constant 2.000000e+00 : f32
    %mul3A_7 = arith.mulf %mul3A, %reduce_sum3A_6 : f32
    %get3A_8 = arith.constant 0 : index
    %get3A_9 = arith.constant 0 : index
    %get3A_10 = arith.constant 0 : index
    %get3A_11 = vector.load %arg0[%get3A_8, %get3A_9, %get3A_10] : memref<4x1x1xf32, #tpu.memory_space<vmem>>, vector<4x1x1xf32>
    %reduce_sum3A_12 = vector.shape_cast %get3A_11 : vector<4x1x1xf32> to vector<1x4x1x1xf32>
    %reduce_sum3A_13 = arith.constant dense<0.000000e+00> : vector<1xf32>
    %reduce_sum3A_14 = vector.multi_reduction <add>, %reduce_sum3A_12, %reduce_sum3A_13 [1, 2, 3] : vector<1x4x1x1xf32> to vector<1xf32>
    %reduce_sum3A_15 = vector.shape_cast %reduce_sum3A_14 : vector<1xf32> to vector<1x1x1x1xf32>
    %reduce_sum3A_16 = vector.extract %reduce_sum3A_15[0, 0, 0, 0] : f32 from vector<1x1x1x1xf32>
    %add3A = arith.addf %mul3A_7, %reduce_sum3A_16 : f32
    %mul3A_17 = arith.constant 9.53674316E-7 : f32
    %mul3A_18 = arith.mulf %add3A, %mul3A_17 : f32
    %mul3A_19 = arith.constant 1.250000e+00 : f32
    %mul3A_20 = arith.mulf %mul3A_19, %mul3A_18 : f32
    %reshape3A = vector.broadcast %mul3A_20 : f32 to vector<1x1xf32>
    %swap3A = arith.constant 0 : index
    %swap3A_21 = arith.constant 0 : index
    %swap3A_22 = vector.load %arg3[%swap3A, %swap3A_21] : memref<1x1xf32, #tpu.memory_space<vmem>>, vector<1x1xf32>
    tpu.vector_store %arg3[%swap3A, %swap3A_21], %reshape3A {strides = array<i32>} : memref<1x1xf32, #tpu.memory_space<vmem>>, vector<1x1xf32>,
    %get3A_23 = arith.constant 0 : index
    %get3A_24 = arith.constant 0 : index
    %get3A_25 = vector.load %arg2[%get3A_23, %get3A_24] : memref<32x8192xf32, #tpu.memory_space<vmem>>, vector<32x8192xf32>
    %reduce_sum3A_26 = arith.constant dense<0.000000e+00> : vector<8192xf32>
    %reduce_sum3A_27 = vector.multi_reduction <add>, %get3A_25, %reduce_sum3A_26 [0] : vector<32x8192xf32> to vector<8192xf32>
    %broadcast_in_dim3A = vector.shape_cast %reduce_sum3A_27 : vector<8192xf32> to vector<1x8192xf32>
    %mul3A_28 = arith.constant 2.44140625E-4 : f32
    %mul3A_29 = vector.broadcast %mul3A_28 : f32 to vector<1x8192xf32>
    %mul3A_30 = arith.mulf %broadcast_in_dim3A, %mul3A_29 : vector<1x8192xf32>
    %add3A_31 = arith.constant 1.000000e-10 : f32
    %add3A_32 = vector.broadcast %add3A_31 : f32 to vector<1x8192xf32>
    %add3A_33 = arith.addf %mul3A_30, %add3A_32 : vector<1x8192xf32>
    %log3A = math.log %add3A_33 : vector<1x8192xf32>
    %mul3A_34 = arith.mulf %mul3A_30, %log3A : vector<1x8192xf32>
    %reduce_sum3A_35 = vector.shape_cast %mul3A_34 : vector<1x8192xf32> to vector<1x1x8192xf32>
    %reduce_sum3A_36 = arith.constant dense<0.000000e+00> : vector<1xf32>
    %reduce_sum3A_37 = vector.multi_reduction <add>, %reduce_sum3A_35, %reduce_sum3A_36 [1, 2] : vector<1x1x8192xf32> to vector<1xf32>
    %reduce_sum3A_38 = vector.shape_cast %reduce_sum3A_37 : vector<1xf32> to vector<1x1x1xf32>
    %reduce_sum3A_39 = vector.extract %reduce_sum3A_38[0, 0, 0] : f32 from vector<1x1x1xf32>
    %neg3A = arith.constant 0.000000e+00 : f32
    %neg3A_40 = arith.subf %neg3A, %reduce_sum3A_39 : f32
    %reshape3A_41 = vector.broadcast %neg3A_40 : f32 to vector<1x1xf32>
    %swap3A_42 = arith.constant 0 : index
    %swap3A_43 = arith.constant 0 : index
    %swap3A_44 = vector.load %arg4[%swap3A_42, %swap3A_43] : memref<1x1xf32, #tpu.memory_space<vmem>>, vector<1x1xf32>
    tpu.vector_store %arg4[%swap3A_42, %swap3A_43], %reshape3A_41 {strides = array<i32>} : memref<1x1xf32, #tpu.memory_space<vmem>>, vector<1x1xf32>,
    %broadcast_in_dim3A_45 = arith.constant 9227.1748 : f32
    %broadcast_in_dim3A_46 = vector.broadcast %broadcast_in_dim3A_45 : f32 to vector<4x1xf32>
    %swap3A_47 = arith.constant 0 : index
    %swap3A_48 = arith.constant 0 : index
    %swap3A_49 = vector.load %arg5[%swap3A_47, %swap3A_48] : memref<4x1xf32, #tpu.memory_space<vmem>>, vector<4x1xf32>
    tpu.vector_store %arg5[%swap3A_47, %swap3A_48], %broadcast_in_dim3A_46 {strides = array<i32>} : memref<4x1xf32, #tpu.memory_space<vmem>>, vector<4x1xf32>,
    return
  }
}

</mosaic_0001>

<sc_bundles>
// kernel: kernel.5.cloned.1.call-start
scs
__scs_entry_jumppad:
0x0: {  	(pc) =	sbr.rel $0x88, $3  }
0x1: {  	(tag) =	ssettag $0x0;
	lr =	simm.s32 $0x1  }
0x2: {  	[smem:$0x3F9D] =	sst lr;
	_ =	strace $0xD0000000  }
0x3: {  	_ = 	snop  }
0x4: {  	_ = 	snop  }
0x5: {  	_ = 	snop  }
0x6: {  	_ = 	snop  }
0x7: {  	_ = 	snop  }
__scs_overlays_trampoline_lowered:
0x8: {  	[smem:$0x3FAC] =	sst s0  }
0x9: {  	[smem:$0x3FAD] =	sst s1  }
0xa: {  	[smem:$0x3FAE] =	sst s2  }
0xb: {  	[smem:$0x3FAF] =	sst s3  }
0xc: {  	[smem:$0x3FB0] =	sst s4  }
0xd: {  	[smem:$0x3FB1] =	sst s5  }
0xe: {  	[smem:$0x3FB2] =	sst s6  }
0xf: {  	[smem:$0x3FB3] =	sst s7  }
0x10: {  	[smem:$0x3FB4] =	sst s8  }
0x11: {  	[smem:$0x3FB5] =	sst s9;
	s0 =	simm.s32 @!p0 $0x0  }
0x12: {  	s1 =	sld [smem:$0x3F9B];
	s0 =	simm.s32 @p0 $0x1  }
0x13: {  	[smem:$0x3FB6] =	sst s0;
	s0 =	simm.s32 @!p1 $0x0  }
0x14: {  	s2 =	sld [smem:$0x3F9A];
	s0 =	simm.s32 @p1 $0x1  }
0x15: {  	[smem:$0x3FB7] =	sst s0;
	s0 =	simm.s32 @!p2 $0x0  }
0x16: {  	s3 =	sld [smem:$0x3FDB];
	s0 =	simm.s32 @p2 $0x1  }
0x17: {  	s4 =	simm.s32 $0x1BF5;
	[smem:$0x3FB9] =	sst s0  }
0x18: {  	s0 =	sld [smem:$0x3F9C];
	_ =	swait.ge [sflag:s4], $0x0  }
0x19: {  	s7 =	sld [smem:$0x3F9D]  }
0x1a: {  	s8 =	sadd.s32 $0xFFFFE003, lr  }
0x1b: {  	s9 =	sadd.s32 $0xFFFFFEF7, lr;
	s5 =	simm.s32 $0xFFFFFFFF;
	p2 =	slt.u32 s8, $0xFFFFF086  }
0x1c: {  	p1 =	slt.u32 s9, $0xF7A;
	s5 =	simm.s32 @!p2 $0x0  }
0x1d: {  	s5 =	simm.s32 @p1 $0x1;
	p0 =	seq.s32 s7, s2  }
0x1e: {  	s7 =	smul.u32 @!p0 $0xF7A, s2;
	p2 =	seq.s32 @!p0 s5, $0x0  }
0x1f: {  	s9 =	smul.u32 $0xF7A, s1;
	s8 =	simm.s32 @!p0 $0x1BF5;
	p2 =	por !p2, p0  }
0x20: {  	[sflag:s8] =	ssyncset.s32 @!p0 $0xFFFFF086;
	s6 =	sadd.s32 @!p0 s3, s7;
	s7 =	simm.s32 @!p0 $0x108  }
0x21: {  	s3 =	sadd.s32 s3, s9;
	s6 =	sadd.s32 @!p0 $0x88, s6;
	s7 =	simm.s32 @p2 $0x1082  }
0x22: {  	[simem:s7], [sflag:s8] =	dma.local @!p0 [hbm:s6], $0xF7A  }
0x23: {  	s9 =	sor.u32 $0xD0000000, s2;
	s6 =	simm.s32 $0x108;
	_ =	swait.ge @!p0 [sflag:s8], $0x0  }
0x24: {  	s3 =	sadd.s32 $0x88, s3;
	s6 =	simm.s32 @!p1 $0x1082;
	[sflag:s4] =	ssyncset.s32 $0xFFFFF086  }
0x25: {  	[simem:s6], [sflag:s4] =	dma.local [hbm:s3], $0xF7A  }
0x26: {  	[smem:$0x3F9D] =	sst s1;
	(tag) =	ssettag s2;
	_ =	strace s9  }
0x27: {  	s1 =	sld [smem:$0x3FAD]  }
0x28: {  	s2 =	sld [smem:$0x3FAE]  }
0x29: {  	s4 =	sld [smem:$0x3FB0]  }
0x2a: {  	p0 =	seq.s32 s5, $0x0;
	s5 =	sld [smem:$0x3FB1]  }
0x2b: {  	s6 =	sld [smem:$0x3FB2]  }
0x2c: {  	s7 =	sld [smem:$0x3FB3]  }
0x2d: {  	s3 =	simm.s32 $0x108;
	s8 =	sld [smem:$0x3FB4]  }
0x2e: {  	s3 =	simm.s32 @!p0 $0x1082;
	s9 =	sld [smem:$0x3FB5]  }
0x2f: {  	lr =	sadd.s32 s0, s3;
	s0 =	sld [smem:$0x3FAC]  }
0x30: {  	s3 =	sld [smem:$0x3FAF]  }
0x31: {  	[smem:$0x3FB8] =	sst s10  }
0x32: {  	s10 =	sld [smem:$0x3FB6];
	_ =	sdelay $0x3  }
0x33: {  	p0 =	seq.s32 s10, $0x1;
	s10 =	sld [smem:$0x3FB8];
	_ =	sdelay $0x3  }
0x34: {  	[smem:$0x3FB8] =	sst s10  }
0x35: {  	s10 =	sld [smem:$0x3FB7];
	_ =	sdelay $0x3  }
0x36: {  	p1 =	seq.s32 s10, $0x1;
	s10 =	sld [smem:$0x3FB8];
	_ =	sdelay $0x3  }
0x37: {  	[smem:$0x3FB8] =	sst s10  }
0x38: {  	s10 =	sld [smem:$0x3FB9]  }
0x39: {  	_ = 	snop;
	(pc) =	sbr.ind lr, $3  }
0x3a: {  	_ = 	snop  }
0x3b: {  	_ = 	snop  }
0x3c: {  	p2 =	seq.s32 s10, $0x1;
	s10 =	sld [smem:$0x3FB8]  }
0x3d: {  	_ =	shalt  }
0x3e: {  	_ =	shalt  }
0x3f: {  	_ =	shalt  }
0x40: {  	_ =	shalt  }
0x41: {  	_ =	shalt  }
0x42: {  	_ =	shalt  }
0x43: {  	_ =	shalt  }
0x44: {  	_ =	shalt  }
0x45: {  	_ =	shalt  }
0x46: {  	_ =	shalt  }
0x47: {  	_ =	shalt  }
0x48: {  	_ =	shalt  }
0x49: {  	_ =	shalt  }
0x4a: {  	_ =	shalt  }
0x4b: {  	_ =	shalt  }
0x4c: {  	_ =	shalt  }
0x4d: {  	_ =	shalt  }
0x4e: {  	_ =	shalt  }
0x4f: {  	_ =	shalt  }
0x50: {  	_ =	shalt  }
0x51: {  	_ =	shalt  }
0x52: {  	_ =	shalt  }
0x53: {  	_ =	shalt  }
0x54: {  	_ =	shalt  }
0x55: {  	_ =	shalt  }
0x56: {  	_ =	shalt  }
0x57: {  	_ =	shalt  }
0x58: {  	_ =	shalt  }
0x59: {  	_ =	shalt  }
0x5a: {  	_ =	shalt  }
0x5b: {  	_ =	shalt  }
0x5c: {  	_ =	shalt  }
0x5d: {  	_ =	shalt  }
0x5e: {  	_ =	shalt  }
0x5f: {  	_ =	shalt  }
0x60: {  	_ =	shalt  }
0x61: {  	_ =	shalt  }
0x62: {  	_ =	shalt  }
0x63: {  	_ =	shalt  }
0x64: {  	_ =	shalt  }
0x65: {  	_ =	shalt  }
0x66: {  	_ =	shalt  }
0x67: {  	_ =	shalt  }
0x68: {  	_ =	shalt  }
0x69: {  	_ =	shalt  }
0x6a: {  	_ =	shalt  }
0x6b: {  	_ =	shalt  }
0x6c: {  	_ =	shalt  }
0x6d: {  	_ =	shalt  }
0x6e: {  	_ =	shalt  }
0x6f: {  	_ =	shalt  }
0x70: {  	_ =	shalt  }
0x71: {  	_ =	shalt  }
0x72: {  	_ =	shalt  }
0x73: {  	_ =	shalt  }
0x74: {  	_ =	shalt  }
0x75: {  	_ =	shalt  }
0x76: {  	_ =	shalt  }
0x77: {  	_ =	shalt  }
0x78: {  	_ =	shalt  }
0x79: {  	_ =	shalt  }
0x7a: {  	_ =	shalt  }
0x7b: {  	_ =	shalt  }
0x7c: {  	_ =	shalt  }
0x7d: {  	_ =	shalt  }
0x7e: {  	_ =	shalt  }
0x7f: {  	_ =	shalt  }
0x80: {  	_ =	shalt  }
0x81: {  	_ =	shalt  }
0x82: {  	_ =	shalt  }
0x83: {  	_ =	shalt  }
0x84: {  	_ =	shalt  }
0x85: {  	_ =	shalt  }
0x86: {  	_ =	shalt  }
0x87: {  	_ =	shalt  }
.Lfunc_end0:
.L_simem_size_0:
called_computation_lowered:
.L_overlay_start_0:
0x88: {  	s2 =	sld [smem:$0x3FD9]  }
0x89: {  	s3 =	sld [smem:$0x3FFE];
	_ =	sdelay $0x1  }
0x8a: {  	s1 =	srdreg.scid  }
0x8b: {  	s0 =	sand.u32 $0x1, s1  }
0x8c: {  	s14 =	sshll.u32 s0, $0xA;
	s2 =	sadd.s32 s3, s2  }
0x8d: {  	s2 =	sadd.s32 s2, s14  }
0x8e: {  	[smem:$0x3FC4] =	sst s2  }
0x8f: {  	_ = 	snop  }
0x90: {  	s2 =	sld [smem:$0x3FD0];
	_ =	sdelay $0x2  }
0x91: {  	s4 =	simm.s32 $0xA;
	s5 =	simm.s32 $0x10;
	s15 =	sld [smem:$0x3FC6]  }
0x92: {  	[smem:s5], [sflag:s4] =	dma.local [hbm:s2], $0x1  }
0x93: {  	_ =	swait.eq [sflag:s4], $0x1  }
0x94: {  	[sflag:s4] =	ssyncset.done $0x0  }
0x95: {  	[sflag:s4] =	ssyncadd.s32 $0xFFFFFFFF  }
0x96: {  	s16 =	sld [smem:$0x10];
	(tm) =	ssettm $0x1  }
0x97: {  	s17 =	sld [smem:$0x3FFB];
	_ =	sdelay $0x3  }
0x98: {  	_ =	strace s17  }
0x99: {  	s4 =	sld [smem:$0x3FFC];
	_ =	sdelay $0x3  }
0x9a: {  	_ =	strace s4  }
0x9b: {  	s4 =	sld [smem:$0x3FFD];
	_ =	sdelay $0x3  }
0x9c: {  	_ =	strace s4  }
0x9d: {  	_ =	strace $0x8FFFFFFF  }
0x9e: {  	s18 =	sld [smem:$0x3FDB];
	_ =	sdelay $0x1  }
0x9f: {  	s19 =	simm.s32 $_scs_section_size  }
0xa0: {  	s6 =	simm.s32 $_size__tile_overlayer_lowered;
	s7 =	simm.s32 $_tile_overlayer_lowered  }
0xa1: {  	s22 =	simm.s32 $0x1BFF;
	s21 =	sshll.u32 s7, $0x1;
	s4 =	sadd.s32 s19, s18  }
0xa2: {  	s8 =	simm.s32 $0x0;
	s20 =	sshll.u32 s6, $0x1;
	s6 =	sadd.s32 s21, s4  }
0xa3: {  	[timem:s8], [sflag:s22] =	dma.local [hbm:s6], s20  }
0xa4: {  	_ =	swait.ge [sflag:s22], s20  }
0xa5: {  	s5 =	ssub.s32 $0x0, s20;
	[sflag:s22] =	ssyncset.done $0x0  }
0xa6: {  	[sflag:s22] =	ssyncadd.s32 s5;
	_ =	sdelay $0x1  }
0xa7: {  	s23 =	simm.s32 $0x1B8B  }
0xa8: {  	_ =	swait.ge [sflag:s23], $0x1  }
0xa9: {  	[sflag:s23] =	ssyncset.done $0x0  }
0xaa: {  	s25 =	simm.s32 $0x1B8E;
	s24 =	sld [smem:$0x3FFE];
	[sflag:s23] =	ssyncadd.s32 $0xFFFFFFFF  }
0xab: {  	s26 =	simm.s32 $execute0_lowered;
	[smem:$0x3FD2] =	sst s25  }
0xac: {  	s6 =	sshll.u32 s26, $0x1;
	_ =	strace $0x80000046;
	[dreg:$0x1] =	wrdreg $0xFFFFFFFF  }
0xad: {  	s28 =	simm.s32 $_size_execute0_lowered;
	s4 =	sadd.s32 s4, s6;
	[dreg:$0x0] =	wrdreg $0x0  }
0xae: {  	s6 =	sshll.u32 s28, $0x1;
	[dreg:$0x2] =	wrdreg s4  }
0xaf: {  	[dreg:$0x3] =	wrdreg s6  }
0xb0: {  	[dreg:$0x4] =	wrdreg $0xC0  }
0xb1: {  	_ =	task [dreg:s8], $0x5FFFF  }
0xb2: {  	[dreg:$0x1] =	wrdreg $0xFFFFFFFF  }
0xb3: {  	[dreg:$0x0] =	wrdreg $0x60  }
0xb4: {  	[dreg:$0x2] =	wrdreg s15  }
0xb5: {  	[dreg:$0x3] =	wrdreg s24  }
0xb6: {  	[dreg:$0x4] =	wrdreg s16  }
0xb7: {  	[dreg:$0x5] =	wrdreg $0x9  }
0xb8: {  	_ =	task.clear_ibuf [dreg:s8], $0x6FFFF;
	_ =	strace $0x90000046  }
0xb9: {  	s29 =	simm.s32 $0x9;
	_ =	strace $0x80000048  }
0xba: {  	_ =	swait.ge [sflag:s29], $0x1  }
0xbb: {  	[sflag:s29] =	ssyncadd.s32 $0xFFFFFFFF  }
0xbc: {  	_ =	strace $0x90000048  }
0xbd: {  	_ =	sfence  }
0xbe: {  	s30 =	sld [smem:$0x0];
	_ =	sdelay $0x2  }
0xbf: {  	s31 =	sshll.u32 s1, $0xD;
	s1 =	sshrl.u32 s1, $0x2  }
0xc0: {  	s3 =	sand.u32 $0x4000, s31;
	s1 =	sadd.s32 s1, s30  }
0xc1: {  	s0 =	sor.u32 s3, s0;
	s1 =	sshll.u32 s1, $0x11  }
0xc2: {  	s0 =	sor.u32 s1, s0  }
0xc3: {  	s0 =	sadd.s32 $0x8F2B, s0  }
0xc4: {  	[sflag:s0] =	ssyncadd.remote.s32 $0x1  }
0xc5: {  	_ =	sfence.sel $0xFFFF  }
0xc6: {  	[dreg:$0x0] =	wrdreg $0xFFFFFFFF;
	(pc) =	sbr.abs _section_cstart, $3  }
0xc7: {  	[dreg:$0x1] =	wrdreg $0xFFFFFFFF  }
0xc8: {  	_ =	task.clear_ibuf [dreg:s8], $0x2FFFF;
	_ =	strace $0x9FFFFFFF  }
0xc9: {  	(tm) =	ssettm $0x7FFFFFFF  }
tec
execute0_lowered:
.L_overlay_start_1:
0x0: {  	(tag) =	ssettag $0x1  }
0x1: {  	s1 =	rddreg [dreg:$0x0]  }
0x2: {  	s0 =	rddreg [dreg:$0x1]  }
0x3: {  	s5 =	rddreg [dreg:$0x2]  }
0x4: {  	s3 =	simm.s32 $0x0;
	s4 =	srdreg.scid;
	s2 =	stileid.u32  }
0x5: {  	s10 =	simm.s32 $0x880;
	s11 =	simm.s32 $0x1080;
	s12 =	simm.s32 $0x1880  }
0x6: {  	s13 =	simm.s32 $0x2080;
	s14 =	simm.s32 $0x2880;
	s15 =	simm.s32 $0x3080  }
0x7: {  	s16 =	simm.s32 $0x3880;
	s17 =	simm.s32 $0x4080;
	s18 =	simm.s32 $0x4880  }
0x8: {  	s19 =	simm.s32 $0x5080;
	s20 =	simm.s32 $0x5880;
	s21 =	simm.s32 $0x6080  }
0x9: {  	s22 =	simm.s32 $0x6880;
	s23 =	simm.s32 $0x7080;
	s24 =	simm.s32 $0x7880  }
0xa: {  	s25 =	simm.s32 $0x1;
	s26 =	simm.s32 $0x8080;
	s28 =	simm.s32 $0x400  }
0xb: {  	s29 =	simm.s32 $0x2;
	s30 =	simm.s32 $0x0;
	[smem:$0x7FF] =	sst s3  }
0xc: {  	s4 =	sand.u32 $0x1, s4;
	s6 =	sshll.u32 s2, $0x1;
	s7 =	sshll.u32 s2, $0xB  }
0xd: {  	_ =	strace $0x80000047;
	s6 =	sor.u32 s4, s6;
	s4 =	ssub.s32 $0x2, s4  }
0xe: {  	s7 =	sand.u32 $0x6000, s7;
	s8 =	sshll.u32 s6, $0x4;
	s31 =	sshrl.u32 s4, $0x1  }
0xf: {  	s6 =	sshll.u32 s6, $0xC;
	s9 =	sadd.s32 s8, s0;
	s0 =	sadd.s32 s7, s0  }
0x10: {  	v2 =	vlaneseq.u32;
	vm0 =	vmmov $0xffff;
	s7 =	ssub.s32 s4, s31;
	s8 =	sand.u32 $0x70, s8;
	s5 =	sadd.s32 s5, s6  }
0x11: {  	v3 =	vimm.f32 $0.0e+00;
	v4 =	vimm.f32 $1.000000000e+00;
	v1 =	vshrl.u32 v2, $0x3;
	s4 =	sadd.s32 $0x1400, s9;
	s0 =	sadd.s32 s8, s0;
	s7 =	smax.u32 s7, $0x1  }
0x12: {  	v0 =	vand.u32 $0x7, v2;
	v2 =	vor.u32 $0x8, v2;
	v1 =	vmul.u32 $0x8, v1;
	s8 =	simm.s32 $0x3;
	s9 =	simm.s32 $0x80;
	s6 =	sadd.s32 $0x1600, s0  }
.LBB2_1:
0x13: {  	[tilespmem:s3], [sflag:$0x3] =	stream.linear.gather [hbm4b:s4+s3], $0x80, $0x38;
	[tilespmem:$0xA080] =	vst v63  }
0x14: {  	_ =	swait.ge [sflag:s8], $0x80  }
0x15: {  	[sflag:s8] =	ssyncset.done $0x0  }
0x16: {  	[sflag:s8] =	ssyncadd.s32 $0xFFFFFF80  }
0x17: {  	v5 =	vld [tilespmem:$0x0];
	_ =	sdelay $0x4  }
0x18: {  	v6 =	vshll.u32 v5, $0x1  }
0x19: {  	v5 =	vand.u32 $0x7, v5;
	v6 =	vand.u32 $0xFFFFFFF0, v6  }
0x1a: {  	v5 =	vor.u32 v5, v6  }
0x1b: {  	v6 =	vperm.xlane v5, v0;
	_ =	sdelay $0x1  }
0x1c: {  	v5 =	vperm.xlane v5, v2;
	v6 =	vadd.s32 v1, v6;
	_ =	sdelay $0x1  }
0x1d: {  	v5 =	vadd.s32 v1, v5;
	_ =	sdelay $0x2  }
0x1e: {  	[tilespmem:s9], [sflag:$0x1] =	stream.indirect_vreg.gather [hbm4b:s1+s3], $0x80, v6, vm0, $0xb8;
	[tilespmem:$0xA080] =	vst v63  }
0x1f: {  	_ = 	snop  }
0x20: {  	[tilespmem:s10], [sflag:$0x1] =	stream.indirect_vreg.gather [hbm4b:s1+s3], $0x80, v5, vm0, $0xb8;
	[tilespmem:$0xA080] =	vst v63  }
0x21: {  	v5 =	vld [tilespmem:$0x10];
	_ =	sdelay $0x4  }
0x22: {  	v6 =	vshll.u32 v5, $0x1  }
0x23: {  	v5 =	vand.u32 $0x7, v5;
	v6 =	vand.u32 $0xFFFFFFF0, v6  }
0x24: {  	v5 =	vor.u32 v5, v6  }
0x25: {  	v6 =	vperm.xlane v5, v0;
	_ =	sdelay $0x1  }
0x26: {  	v5 =	vperm.xlane v5, v2;
	v6 =	vadd.s32 v1, v6;
	_ =	sdelay $0x1  }
0x27: {  	v5 =	vadd.s32 v1, v5;
	_ =	sdelay $0x2  }
0x28: {  	[tilespmem:s11], [sflag:$0x1] =	stream.indirect_vreg.gather [hbm4b:s1+s3], $0x80, v6, vm0, $0xb8;
	[tilespmem:$0xA080] =	vst v63  }
0x29: {  	_ = 	snop  }
0x2a: {  	[tilespmem:s12], [sflag:$0x1] =	stream.indirect_vreg.gather [hbm4b:s1+s3], $0x80, v5, vm0, $0xb8;
	[tilespmem:$0xA080] =	vst v63  }
0x2b: {  	v5 =	vld [tilespmem:$0x20];
	_ =	sdelay $0x4  }
0x2c: {  	v6 =	vshll.u32 v5, $0x1  }
0x2d: {  	v5 =	vand.u32 $0x7, v5;
	v6 =	vand.u32 $0xFFFFFFF0, v6  }
0x2e: {  	v5 =	vor.u32 v5, v6  }
0x2f: {  	v6 =	vperm.xlane v5, v0;
	_ =	sdelay $0x1  }
0x30: {  	v5 =	vperm.xlane v5, v2;
	v6 =	vadd.s32 v1, v6;
	_ =	sdelay $0x1  }
0x31: {  	v5 =	vadd.s32 v1, v5;
	_ =	sdelay $0x2  }
0x32: {  	[tilespmem:s13], [sflag:$0x1] =	stream.indirect_vreg.gather [hbm4b:s1+s3], $0x80, v6, vm0, $0xb8;
	[tilespmem:$0xA080] =	vst v63  }
0x33: {  	_ = 	snop  }
0x34: {  	[tilespmem:s14], [sflag:$0x1] =	stream.indirect_vreg.gather [hbm4b:s1+s3], $0x80, v5, vm0, $0xb8;
	[tilespmem:$0xA080] =	vst v63  }
0x35: {  	v5 =	vld [tilespmem:$0x30];
	_ =	sdelay $0x4  }
0x36: {  	v6 =	vshll.u32 v5, $0x1  }
0x37: {  	v5 =	vand.u32 $0x7, v5;
	v6 =	vand.u32 $0xFFFFFFF0, v6  }
0x38: {  	v5 =	vor.u32 v5, v6  }
0x39: {  	v6 =	vperm.xlane v5, v0;
	_ =	sdelay $0x1  }
0x3a: {  	v5 =	vperm.xlane v5, v2;
	v6 =	vadd.s32 v1, v6;
	_ =	sdelay $0x1  }
0x3b: {  	v5 =	vadd.s32 v1, v5;
	_ =	sdelay $0x2  }
0x3c: {  	[tilespmem:s15], [sflag:$0x1] =	stream.indirect_vreg.gather [hbm4b:s1+s3], $0x80, v6, vm0, $0xb8;
	[tilespmem:$0xA080] =	vst v63  }
0x3d: {  	_ = 	snop  }
0x3e: {  	[tilespmem:s16], [sflag:$0x1] =	stream.indirect_vreg.gather [hbm4b:s1+s3], $0x80, v5, vm0, $0xb8;
	[tilespmem:$0xA080] =	vst v63  }
0x3f: {  	v5 =	vld [tilespmem:$0x40];
	_ =	sdelay $0x4  }
0x40: {  	v6 =	vshll.u32 v5, $0x1  }
0x41: {  	v5 =	vand.u32 $0x7, v5;
	v6 =	vand.u32 $0xFFFFFFF0, v6  }
0x42: {  	v5 =	vor.u32 v5, v6  }
0x43: {  	v6 =	vperm.xlane v5, v0;
	_ =	sdelay $0x1  }
0x44: {  	v5 =	vperm.xlane v5, v2;
	v6 =	vadd.s32 v1, v6;
	_ =	sdelay $0x1  }
0x45: {  	v5 =	vadd.s32 v1, v5;
	_ =	sdelay $0x2  }
0x46: {  	[tilespmem:s17], [sflag:$0x1] =	stream.indirect_vreg.gather [hbm4b:s1+s3], $0x80, v6, vm0, $0xb8;
	[tilespmem:$0xA080] =	vst v63  }
0x47: {  	_ = 	snop  }
0x48: {  	[tilespmem:s18], [sflag:$0x1] =	stream.indirect_vreg.gather [hbm4b:s1+s3], $0x80, v5, vm0, $0xb8;
	[tilespmem:$0xA080] =	vst v63  }
0x49: {  	v5 =	vld [tilespmem:$0x50];
	_ =	sdelay $0x4  }
0x4a: {  	v6 =	vshll.u32 v5, $0x1  }
0x4b: {  	v5 =	vand.u32 $0x7, v5;
	v6 =	vand.u32 $0xFFFFFFF0, v6  }
0x4c: {  	v5 =	vor.u32 v5, v6  }
0x4d: {  	v6 =	vperm.xlane v5, v0;
	_ =	sdelay $0x1  }
0x4e: {  	v5 =	vperm.xlane v5, v2;
	v6 =	vadd.s32 v1, v6;
	_ =	sdelay $0x1  }
0x4f: {  	v5 =	vadd.s32 v1, v5;
	_ =	sdelay $0x2  }
0x50: {  	[tilespmem:s19], [sflag:$0x1] =	stream.indirect_vreg.gather [hbm4b:s1+s3], $0x80, v6, vm0, $0xb8;
	[tilespmem:$0xA080] =	vst v63  }
0x51: {  	_ = 	snop  }
0x52: {  	[tilespmem:s20], [sflag:$0x1] =	stream.indirect_vreg.gather [hbm4b:s1+s3], $0x80, v5, vm0, $0xb8;
	[tilespmem:$0xA080] =	vst v63  }
0x53: {  	v5 =	vld [tilespmem:$0x60];
	_ =	sdelay $0x4  }
0x54: {  	v6 =	vshll.u32 v5, $0x1  }
0x55: {  	v5 =	vand.u32 $0x7, v5;
	v6 =	vand.u32 $0xFFFFFFF0, v6  }
0x56: {  	v5 =	vor.u32 v5, v6  }
0x57: {  	v6 =	vperm.xlane v5, v0;
	_ =	sdelay $0x1  }
0x58: {  	v5 =	vperm.xlane v5, v2;
	v6 =	vadd.s32 v1, v6;
	_ =	sdelay $0x1  }
0x59: {  	v5 =	vadd.s32 v1, v5;
	_ =	sdelay $0x2  }
0x5a: {  	[tilespmem:s21], [sflag:$0x1] =	stream.indirect_vreg.gather [hbm4b:s1+s3], $0x80, v6, vm0, $0xb8;
	[tilespmem:$0xA080] =	vst v63  }
0x5b: {  	_ = 	snop  }
0x5c: {  	[tilespmem:s22], [sflag:$0x1] =	stream.indirect_vreg.gather [hbm4b:s1+s3], $0x80, v5, vm0, $0xb8;
	[tilespmem:$0xA080] =	vst v63  }
0x5d: {  	v5 =	vld [tilespmem:$0x70];
	_ =	sdelay $0x4  }
0x5e: {  	v6 =	vshll.u32 v5, $0x1  }
0x5f: {  	v5 =	vand.u32 $0x7, v5;
	v6 =	vand.u32 $0xFFFFFFF0, v6  }
0x60: {  	v5 =	vor.u32 v5, v6  }
0x61: {  	v6 =	vperm.xlane v5, v0;
	_ =	sdelay $0x1  }
0x62: {  	v5 =	vperm.xlane v5, v2;
	v6 =	vadd.s32 v1, v6;
	_ =	sdelay $0x1  }
0x63: {  	v5 =	vadd.s32 v1, v5;
	_ =	sdelay $0x2  }
0x64: {  	[tilespmem:s23], [sflag:$0x1] =	stream.indirect_vreg.gather [hbm4b:s1+s3], $0x80, v6, vm0, $0xb8;
	[tilespmem:$0xA080] =	vst v63  }
0x65: {  	s31 =	simm.s32 $0x8100  }
0x66: {  	[tilespmem:s24], [sflag:$0x1] =	stream.indirect_vreg.gather [hbm4b:s1+s3], $0x80, v5, vm0, $0xb8;
	[tilespmem:$0xA080] =	vst v63  }
0x67: {  	[tilespmem:s31+$0xFFFFFF80] =	vst v3  }
0x68: {  	[tilespmem:s31+$0x70] =	vst v3  }
0x69: {  	[tilespmem:s31+$0x60] =	vst v3  }
0x6a: {  	[tilespmem:s31+$0x50] =	vst v3  }
0x6b: {  	[tilespmem:s31+$0x40] =	vst v3  }
0x6c: {  	[tilespmem:s31+$0x30] =	vst v3  }
0x6d: {  	[tilespmem:s31+$0x20] =	vst v3  }
0x6e: {  	[tilespmem:s31+$0x10] =	vst v3  }
0x6f: {  	[tilespmem:s31+$0x0] =	vst v3  }
0x70: {  	[tilespmem:s31+$0xFFFFFFF0] =	vst v3  }
0x71: {  	[tilespmem:s31+$0xFFFFFFE0] =	vst v3  }
0x72: {  	[tilespmem:s31+$0xFFFFFFD0] =	vst v3  }
0x73: {  	[tilespmem:s31+$0xFFFFFFC0] =	vst v3  }
0x74: {  	[tilespmem:s31+$0xFFFFFFB0] =	vst v3  }
0x75: {  	s0 =	simm.s32 $0x0;
	[tilespmem:s31+$0xFFFFFFA0] =	vst v3  }
.LBB2_2:
0x76: {  	s0 =	sadd.s32 $0x10, s0;
	[tilespmem:s31+$0xFFFFFF90] =	vst v3;
	s31 =	sadd.s32 $0x100, s31  }
0x77: {  	[tilespmem:s31+$0xFFFFFF80] =	vst v3;
	p0 =	slt.u32 s0, $0x1F0  }
0x78: {  	[tilespmem:s31+$0x70] =	vst v3  }
0x79: {  	[tilespmem:s31+$0x60] =	vst v3  }
0x7a: {  	[tilespmem:s31+$0x50] =	vst v3  }
0x7b: {  	[tilespmem:s31+$0x40] =	vst v3  }
0x7c: {  	[tilespmem:s31+$0x30] =	vst v3  }
0x7d: {  	[tilespmem:s31+$0x20] =	vst v3  }
0x7e: {  	[tilespmem:s31+$0x10] =	vst v3  }
0x7f: {  	[tilespmem:s31+$0x0] =	vst v3  }
0x80: {  	[tilespmem:s31+$0xFFFFFFF0] =	vst v3  }
.Ltmp0:
0x81: {  	[tilespmem:s31+$0xFFFFFFE0] =	vst v3;
	(pc) =	sbr.rel @p0 .LBB2_2-.Ltmp0, $4  }
0x82: {  	[tilespmem:s31+$0xFFFFFFD0] =	vst v3  }
0x83: {  	[tilespmem:s31+$0xFFFFFFC0] =	vst v3  }
0x84: {  	[tilespmem:s31+$0xFFFFFFB0] =	vst v3  }
0x85: {  	[tilespmem:s31+$0xFFFFFFA0] =	vst v3  }
0x86: {  	[tilespmem:s31+$0xFFFFFF90] =	vst v3  }
0x87: {  	_ =	swait.ge [sflag:s25], $0x8000  }
0x88: {  	[sflag:s25] =	ssyncset.done $0x0  }
0x89: {  	[sflag:s25] =	ssyncadd.s32 $0xFFFF8000  }
0x8a: {  	[hbm4b:s5+s3] =	stream.linear.scatter [tilespmem:s9], [sflag:$0x2], $0x8000, $0x38;
	[tilespmem:$0xA080] =	vst v63  }
0x8b: {  	v5 =	vld [tilespmem:$0x0];
	_ =	sdelay $0x7  }
0x8c: {  	[tilespmem:v5+s26+$0x0] =	vst.idx.add.f32.msk $0xffff, v4  }
0x8d: {  	v5 =	vld [tilespmem:$0x10];
	_ =	sdelay $0x7  }
0x8e: {  	[tilespmem:v5+s26+$0x0] =	vst.idx.add.f32.msk $0xffff, v4  }
0x8f: {  	v5 =	vld [tilespmem:$0x20];
	_ =	sdelay $0x7  }
0x90: {  	[tilespmem:v5+s26+$0x0] =	vst.idx.add.f32.msk $0xffff, v4  }
0x91: {  	v5 =	vld [tilespmem:$0x30];
	_ =	sdelay $0x7  }
0x92: {  	[tilespmem:v5+s26+$0x0] =	vst.idx.add.f32.msk $0xffff, v4  }
0x93: {  	v5 =	vld [tilespmem:$0x40];
	_ =	sdelay $0x7  }
0x94: {  	[tilespmem:v5+s26+$0x0] =	vst.idx.add.f32.msk $0xffff, v4  }
0x95: {  	v5 =	vld [tilespmem:$0x50];
	_ =	sdelay $0x7  }
0x96: {  	[tilespmem:v5+s26+$0x0] =	vst.idx.add.f32.msk $0xffff, v4  }
0x97: {  	v5 =	vld [tilespmem:$0x60];
	_ =	sdelay $0x7  }
0x98: {  	[tilespmem:v5+s26+$0x0] =	vst.idx.add.f32.msk $0xffff, v4  }
0x99: {  	v5 =	vld [tilespmem:$0x70];
	_ =	sdelay $0x7  }
0x9a: {  	s30 =	sadd.s32 $0x1, s30;
	[tilespmem:v5+s26+$0x0] =	vst.idx.add.f32.msk $0xffff, v4  }
0x9b: {  	[hbm4b:s6+s9] =	stream.strided.scatter [tilespmem:s26], [sflag:$0x3], $0x2000, s28, s9, $0x38;
	[tilespmem:$0xA080] =	vst v63  }
0x9c: {  	p0 =	sne.s32 s30, s7;
	_ =	swait.ge [sflag:s8], $0x2000  }
.Ltmp1:
0x9d: {  	[sflag:s8] =	ssyncset.done $0x0;
	(pc) =	sbr.rel @p0 .LBB2_1-.Ltmp1, $4  }
0x9e: {  	[sflag:s8] =	ssyncadd.s32 $0xFFFFE000  }
0x9f: {  	_ =	swait.ge [sflag:s29], $0x8000  }
0xa0: {  	[sflag:s29] =	ssyncset.done $0x0  }
0xa1: {  	[sflag:s29] =	ssyncadd.s32 $0xFFFF8000  }
0xa2: {  	_ =	sfence.sel $0x180000  }
0xa3: {  	[bflag:$0x0] =	sbarrier.arrive $0xFFFF  }
0xa4: {  	_ =	strace $0x90000047  }
0xa5: {  	[bflag:$0x2] =	sbarrier.arrive $0xFFFF  }
0xa6: {  	p0 =	sne.s32 s2, $0x0;
	s0 =	rddreg [dreg:$0x3]  }
0xa7: {  	s0 =	sadd.s32 @!p0 $0x100000, s0  }
0xa8: {  	[sflag:s0] =	ssyncadd.tile.s32 @!p0 $0x1;
	_ =	shalt  }
.Lfunc_end2:
_tile_overlayer_lowered:
.L_overlay_start_2:
0xa9: {  	(tag) =	ssettag $0x2  }
0xaa: {  	s0 =	rddreg [dreg:$0x0];
	s2 =	stileid.u32  }
0xab: {  	s1 =	rddreg [dreg:$0x1];
	p0 =	sne.s32 s2, $0x0  }
0xac: {  	s3 =	rddreg [dreg:$0x2];
	[bflag:$0x3] =	sbarrier.arrive $0xFFFF;
	s2 =	simm.s32 @!p0 $0x1C03  }
0xad: {  	[timem:s3], [sflag:s2] =	dma.local @!p0 [hbm:s0], s1  }
0xae: {  	s0 =	simm.s32 @!p0 $0x3  }
0xaf: {  	_ =	swait.ge @!p0 [sflag:s0], s1  }
0xb0: {  	s1 =	ssub.s32 @!p0 $0x0, s1;
	[sflag:s0] =	ssyncset.done @!p0 $0x0  }
0xb1: {  	[sflag:s0] =	ssyncadd.s32 @!p0 s1  }
0xb2: {  	[bflag:$0x3] =	sbarrier.arrive $0xFFFF  }
0xb3: {  	_ =	shalt  }

</sc_bundles>
